<compile_context>
chip_gen: v7x
topology: tpu7x:2x2x1
jax: 0.10.2.dev20260603
libtpu: 0.0.44.dev20260713+nightly
codegen_flags: <defaults>
</compile_context>

<pallas_src>
import jax
import jax.numpy as jnp
from jax import lax
from jax.experimental import pallas as pl
from jax.experimental.pallas import tpu as pltpu
from jax.experimental.pallas import tpu_sc as plsc

VOCAB = 1000000
D = 64
SEQ = 200
BATCH = 4096
OUT = 2
L = 16
NC, NS = 2, 16
NW = NC * NS
BPW = BATCH // NW
HALF = SEQ // 2
NCHUNK = D // L


def _sc_body(idx_hbm, table_hbm, params_hbm, out_hbm,
             idx_v, buf_a, buf_b, params_v, out_v, sem_a, sem_b):
    wid = lax.axis_index("s") * NC + lax.axis_index("c")
    ibase = wid * (2 * BPW)
    obase = wid * BPW

    pltpu.sync_copy(params_hbm, params_v)
    pltpu.sync_copy(idx_hbm.at[pl.ds(ibase, 2 * BPW)], idx_v)

    w0 = [params_v[0, pl.ds(k * L, L)] for k in range(NCHUNK)]
    w1 = [params_v[1, pl.ds(k * L, L)] for k in range(NCHUNK)]
    b0 = params_v[0, pl.ds(D, L)][0]
    b1 = params_v[1, pl.ds(D, L)][0]
    lanes = lax.iota(jnp.int32, L)
    cols = jnp.minimum(lanes, 1)
    out_mask = lanes < OUT

    def start(buf, sem, lb):
        pltpu.make_async_copy(table_hbm.at[idx_v.at[2 * lb]],
                              buf.at[pl.ds(0, HALF)], sem).start()
        pltpu.make_async_copy(table_hbm.at[idx_v.at[2 * lb + 1]],
                              buf.at[pl.ds(HALF, HALF)], sem).start()

    def wait(buf, sem):
        pltpu.make_async_copy(table_hbm.at[idx_v.at[0]],
                              buf.at[pl.ds(0, HALF)], sem).wait()
        pltpu.make_async_copy(table_hbm.at[idx_v.at[0]],
                              buf.at[pl.ds(HALF, HALF)], sem).wait()

    def process(buf, lb):
        def row_body(i, acc):
            a0, a1, a2, a3 = acc
            for u in range(8):
                j = i * 8 + u
                a0 = a0 + buf[j, pl.ds(0 * L, L)]
                a1 = a1 + buf[j, pl.ds(1 * L, L)]
                a2 = a2 + buf[j, pl.ds(2 * L, L)]
                a3 = a3 + buf[j, pl.ds(3 * L, L)]
            return a0, a1, a2, a3

        z = jnp.zeros((L,), jnp.float32)
        a0, a1, a2, a3 = lax.fori_loop(0, SEQ // 8, row_body, (z, z, z, z))
        y0 = jnp.sum(a0 * w0[0] + a1 * w0[1] + a2 * w0[2] + a3 * w0[3]) + b0
        y1 = jnp.sum(a0 * w1[0] + a1 * w1[1] + a2 * w1[2] + a3 * w1[3]) + b1
        vals = jnp.where(lanes == 0, jnp.broadcast_to(y0, (L,)),
                         jnp.broadcast_to(y1, (L,)))
        rows = jnp.broadcast_to(lb, (L,)).astype(jnp.int32)
        plsc.store_scatter(out_v, [rows, cols], vals, mask=out_mask)

    start(buf_a, sem_a, 0)

    def pair_body(i, carry):
        start(buf_b, sem_b, 2 * i + 1)
        wait(buf_a, sem_a)
        process(buf_a, 2 * i)

        @pl.when(i < BPW // 2 - 1)
        def _():
            start(buf_a, sem_a, 2 * i + 2)

        wait(buf_b, sem_b)
        process(buf_b, 2 * i + 1)
        return carry

    lax.fori_loop(0, BPW // 2, pair_body, 0)
    pltpu.sync_copy(out_v, out_hbm.at[pl.ds(obase, BPW)])


def kernel(text, embedding, W, b):
    idx = text.T.reshape(BATCH * 2, HALF)
    wt = (W.astype(jnp.float32) / SEQ).T
    params = jnp.zeros((2, 80), jnp.float32)
    params = params.at[:, :D].set(wt).at[:, D].set(b.astype(jnp.float32))

    mesh = plsc.VectorSubcoreMesh(core_axis_name="c", subcore_axis_name="s",
                                  num_cores=NC, num_subcores=NS)
    run = pl.kernel(
        _sc_body,
        out_type=jax.ShapeDtypeStruct((BATCH, OUT), jnp.float32),
        mesh=mesh,
        compiler_params=pltpu.CompilerParams(needs_layout_passes=False,
                                              use_tc_tiling_on_sc=False),
        scratch_types=[
            pltpu.VMEM((2 * BPW, HALF), jnp.int32),
            pltpu.VMEM((SEQ, D), jnp.float32),
            pltpu.VMEM((SEQ, D), jnp.float32),
            pltpu.VMEM((2, 80), jnp.float32),
            pltpu.VMEM((BPW, OUT), jnp.float32),
            pltpu.SemaphoreType.DMA,
            pltpu.SemaphoreType.DMA,
        ],
    )
    return run(idx, embedding, params)

# --- scband reference (transcript-rebuilt; emitter-appended) ---
"""Pipeline reference for scband-fast-text-6966436954647 (READ-ONLY COPY).

The authoritative reference and input builder live on the scoring server;
editing this copy changes nothing except your own understanding.
"""

import jax, jax.numpy as jnp
import numpy as np

VOCAB = 1000000
EMBED_DIM = 64
OUTPUT_DIM = 2
PAD_IDX = 0
SEQ_LEN = 200
BATCH = 4096


def setup_inputs(seed: int = 0) -> dict:
    key = jax.random.key(seed)
    k1, k2, k3 = jax.random.split(key, 3)
    text = jax.random.randint(k1, (SEQ_LEN, BATCH), 0, VOCAB, dtype=jnp.int64 if jax.config.jax_enable_x64 else jnp.int32).astype(jnp.int32)
    embedding = jax.random.normal(k2, (VOCAB, EMBED_DIM), dtype=jnp.float32) * 0.02
    embedding = embedding.at[PAD_IDX].set(0.0)  # padding_idx row is zero
    W = jax.random.normal(k3, (EMBED_DIM, OUTPUT_DIM), dtype=jnp.float32) * 0.02
    b = jnp.zeros((OUTPUT_DIM,), dtype=jnp.float32)
    return {"text": text, "embedding": embedding, "W": W, "b": b}


def reference(text, embedding, W, b):
    # nn.Embedding lookup: [seq_len, batch, embed_dim]
    embed_text = jnp.take(embedding, text, axis=0)
    # permute(1, 0, 2) -> [batch, seq_len, embed_dim]
    embed_text = jnp.transpose(embed_text, (1, 0, 2))
    # F.avg_pool2d with kernel (seq_len, 1) then squeeze(1) == mean over seq axis
    pooled = jnp.mean(embed_text, axis=1)  # [batch, embed_dim]
    # fc
    return pooled @ W + b

if __name__ == "__main__":
    import jax
    _d = setup_inputs()
    print(jax.jit(kernel)(*tuple(_d.values())))

</pallas_src>

<mosaic_0001>
#map = affine_map<(d0, d1) -> (0, 0)>
module attributes {stable_mosaic.version = 14 : i64} {
  func.func @_sc_body(%arg0: i32, %arg1: i32, %arg2: memref<8192x100xi32, #tpu.memory_space<hbm>>, %arg3: memref<1000000x64xf32, #tpu.memory_space<hbm>>, %arg4: memref<2x80xf32, #tpu.memory_space<hbm>>, %arg5: memref<4096x2xf32, #tpu.memory_space<hbm>>, %arg6: memref<256x100xi32, #tpu.memory_space<vmem>>, %arg7: memref<200x64xf32, #tpu.memory_space<vmem>>, %arg8: memref<200x64xf32, #tpu.memory_space<vmem>>, %arg9: memref<2x80xf32, #tpu.memory_space<vmem>>, %arg10: memref<128x2xf32, #tpu.memory_space<vmem>>, %arg11: memref<!tpu.dma_semaphore, #tpu.memory_space<semaphore_mem>>, %arg12: memref<!tpu.dma_semaphore, #tpu.memory_space<semaphore_mem>>) attributes {dimension_semantics = [#tpu.dimension_semantics<core_parallel>, #tpu.dimension_semantics<subcore_parallel>], iteration_bounds = array<i64: 2, 16>, scalar_prefetch = 0 : i64, scratch_operands = 7 : i64, tpu.core_type = #tpu.core_type<sc_vector_subcore>, window_params = [{transform_indices = #map}, {transform_indices = #map}, {transform_indices = #map}, {transform_indices = #map}]} {
    %mul3A = arith.constant 2 : i32
    %mul3A_0 = arith.muli %arg1, %mul3A : i32
    %add3A = arith.addi %mul3A_0, %arg0 : i32
    %mul3A_1 = arith.constant 256 : i32
    %mul3A_2 = arith.muli %add3A, %mul3A_1 : i32
    %mul3A_3 = arith.constant 128 : i32
    %mul3A_4 = arith.muli %add3A, %mul3A_3 : i32
    "tpu.region"() ({
      %run_scoped3A = tpu.sem_alloc : memref<!tpu.dma_semaphore, #tpu.memory_space<semaphore_mem>>
      tpu.enqueue_dma source(%arg4 : memref<2x80xf32, #tpu.memory_space<hbm>>) target(%arg9 : memref<2x80xf32, #tpu.memory_space<vmem>>) target_semaphore(%run_scoped3A : memref<!tpu.dma_semaphore, #tpu.memory_space<semaphore_mem>>)
      tpu.wait_dma2 semaphore(%run_scoped3A : memref<!tpu.dma_semaphore, #tpu.memory_space<semaphore_mem>>) src(%arg4 : memref<2x80xf32, #tpu.memory_space<hbm>>) dst(%arg9 : memref<2x80xf32, #tpu.memory_space<vmem>>)
      tpu.yield
    }) : () -> ()
    "tpu.region"() ({
      %run_scoped3A = tpu.sem_alloc : memref<!tpu.dma_semaphore, #tpu.memory_space<semaphore_mem>>
      %dma_start3A_74 = arith.constant 0 : i32
      %dma_start3A_75 = tpu.memref_slice %arg2[%mul3A_2, %dma_start3A_74] : memref<8192x100xi32, #tpu.memory_space<hbm>> -> memref<256x100xi32, #tpu.memory_space<hbm>>
      %dma_start3A_76 = arith.constant 0 : i32
      %dma_start3A_77 = tpu.memref_slice %arg2[%mul3A_2, %dma_start3A_76] : memref<8192x100xi32, #tpu.memory_space<hbm>> -> memref<256x100xi32, #tpu.memory_space<hbm>>
      tpu.enqueue_dma source(%dma_start3A_77 : memref<256x100xi32, #tpu.memory_space<hbm>>) target(%arg6 : memref<256x100xi32, #tpu.memory_space<vmem>>) target_semaphore(%run_scoped3A : memref<!tpu.dma_semaphore, #tpu.memory_space<semaphore_mem>>)
      %dma_wait3A = arith.constant 0 : i32
      %dma_wait3A_78 = tpu.memref_slice %arg2[%mul3A_2, %dma_wait3A] : memref<8192x100xi32, #tpu.memory_space<hbm>> -> memref<256x100xi32, #tpu.memory_space<hbm>>
      %dma_wait3A_79 = arith.constant 0 : i32
      %dma_wait3A_80 = tpu.memref_slice %arg2[%mul3A_2, %dma_wait3A_79] : memref<8192x100xi32, #tpu.memory_space<hbm>> -> memref<256x100xi32, #tpu.memory_space<hbm>>
      tpu.wait_dma2 semaphore(%run_scoped3A : memref<!tpu.dma_semaphore, #tpu.memory_space<semaphore_mem>>) src(%dma_wait3A_80 : memref<256x100xi32, #tpu.memory_space<hbm>>) dst(%arg6 : memref<256x100xi32, #tpu.memory_space<vmem>>)
      tpu.yield
    }) : () -> ()
    %get3A = arith.constant 0 : i32
    %get3A_5 = arith.index_cast %get3A : i32 to index
    %get3A_6 = arith.constant 0 : index
    %get3A_7 = tpu.vector_load %arg9[%get3A_5, %get3A_6] {strides = array<i32>} : memref<2x80xf32, #tpu.memory_space<vmem>>, vector<16xf32>,
    %get3A_8 = arith.constant 0 : i32
    %get3A_9 = arith.index_cast %get3A_8 : i32 to index
    %get3A_10 = arith.constant 16 : index
    %get3A_11 = tpu.vector_load %arg9[%get3A_9, %get3A_10] {strides = array<i32>} : memref<2x80xf32, #tpu.memory_space<vmem>>, vector<16xf32>,
    %get3A_12 = arith.constant 0 : i32
    %get3A_13 = arith.index_cast %get3A_12 : i32 to index
    %get3A_14 = arith.constant 32 : index
    %get3A_15 = tpu.vector_load %arg9[%get3A_13, %get3A_14] {strides = array<i32>} : memref<2x80xf32, #tpu.memory_space<vmem>>, vector<16xf32>,
    %get3A_16 = arith.constant 0 : i32
    %get3A_17 = arith.index_cast %get3A_16 : i32 to index
    %get3A_18 = arith.constant 48 : index
    %get3A_19 = tpu.vector_load %arg9[%get3A_17, %get3A_18] {strides = array<i32>} : memref<2x80xf32, #tpu.memory_space<vmem>>, vector<16xf32>,
    %get3A_20 = arith.constant 1 : i32
    %get3A_21 = arith.index_cast %get3A_20 : i32 to index
    %get3A_22 = arith.constant 0 : index
    %get3A_23 = tpu.vector_load %arg9[%get3A_21, %get3A_22] {strides = array<i32>} : memref<2x80xf32, #tpu.memory_space<vmem>>, vector<16xf32>,
    %get3A_24 = arith.constant 1 : i32
    %get3A_25 = arith.index_cast %get3A_24 : i32 to index
    %get3A_26 = arith.constant 16 : index
    %get3A_27 = tpu.vector_load %arg9[%get3A_25, %get3A_26] {strides = array<i32>} : memref<2x80xf32, #tpu.memory_space<vmem>>, vector<16xf32>,
    %get3A_28 = arith.constant 1 : i32
    %get3A_29 = arith.index_cast %get3A_28 : i32 to index
    %get3A_30 = arith.constant 32 : index
    %get3A_31 = tpu.vector_load %arg9[%get3A_29, %get3A_30] {strides = array<i32>} : memref<2x80xf32, #tpu.memory_space<vmem>>, vector<16xf32>,
    %get3A_32 = arith.constant 1 : i32
    %get3A_33 = arith.index_cast %get3A_32 : i32 to index
    %get3A_34 = arith.constant 48 : index
    %get3A_35 = tpu.vector_load %arg9[%get3A_33, %get3A_34] {strides = array<i32>} : memref<2x80xf32, #tpu.memory_space<vmem>>, vector<16xf32>,
    %get3A_36 = arith.constant 0 : i32
    %get3A_37 = arith.index_cast %get3A_36 : i32 to index
    %get3A_38 = arith.constant 64 : index
    %get3A_39 = tpu.vector_load %arg9[%get3A_37, %get3A_38] {strides = array<i32>} : memref<2x80xf32, #tpu.memory_space<vmem>>, vector<16xf32>,
    %slice3A = vector.extract_strided_slice %get3A_39 {offsets = [0], sizes = [1], strides = [1]} : vector<16xf32> to vector<1xf32>
    %squeeze3A = vector.extract %slice3A[0] : f32 from vector<1xf32>
    %get3A_40 = arith.constant 1 : i32
    %get3A_41 = arith.index_cast %get3A_40 : i32 to index
    %get3A_42 = arith.constant 64 : index
    %get3A_43 = tpu.vector_load %arg9[%get3A_41, %get3A_42] {strides = array<i32>} : memref<2x80xf32, #tpu.memory_space<vmem>>, vector<16xf32>,
    %slice3A_44 = vector.extract_strided_slice %get3A_43 {offsets = [0], sizes = [1], strides = [1]} : vector<16xf32> to vector<1xf32>
    %squeeze3A_45 = vector.extract %slice3A_44[0] : f32 from vector<1xf32>
    %iota3A = tpu.iota {dimensions = array<i32: 0>} : vector<16xi32>
    %min3A = arith.constant 1 : i32
    %min3A_46 = vector.broadcast %min3A : i32 to vector<16xi32>
    %min3A_47 = arith.minsi %iota3A, %min3A_46 : vector<16xi32>
    %lt3A = arith.constant 2 : i32
    %lt3A_48 = vector.broadcast %lt3A : i32 to vector<16xi32>
    %lt3A_49 = arith.cmpi slt, %iota3A, %lt3A_48 : vector<16xi32>
    %dma_start3A = arith.constant 0 : i32
    %dma_start3A_50 = arith.constant 0 : i32
    %dma_start3A_51 = arith.constant 0 : i32
    %dma_start3A_52 = tpu.memref_slice %arg7[%dma_start3A_50, %dma_start3A_51] : memref<200x64xf32, #tpu.memory_space<vmem>> -> memref<100x64xf32, #tpu.memory_space<vmem>>
    %dma_start3A_53 = arith.constant 0 : i32
    %dma_start3A_54 = tpu.memref_slice %arg6[%dma_start3A, %dma_start3A_53] : memref<256x100xi32, #tpu.memory_space<vmem>> -> memref<1x100xi32, #tpu.memory_space<vmem>>
    %dma_start3A_55 = tpu.memref_squeeze %dma_start3A_54 : memref<1x100xi32, #tpu.memory_space<vmem>> -> memref<100xi32, #tpu.memory_space<vmem>>
    %dma_start3A_56 = arith.constant 0 : i32
    %dma_start3A_57 = arith.constant 0 : i32
    %dma_start3A_58 = tpu.memref_slice %arg3[%dma_start3A_56, %dma_start3A_57] : memref<1000000x64xf32, #tpu.memory_space<hbm>> -> memref<1000000x64xf32, #tpu.memory_space<hbm>>
    tpu.enqueue_indirect_dma source(%dma_start3A_58 : memref<1000000x64xf32, #tpu.memory_space<hbm>>) target(%dma_start3A_52 : memref<100x64xf32, #tpu.memory_space<vmem>>) offsets(%dma_start3A_55 : memref<100xi32, #tpu.memory_space<vmem>>) semaphore(%arg11 : memref<!tpu.dma_semaphore, #tpu.memory_space<semaphore_mem>>)
    %dma_start3A_59 = arith.constant 1 : i32
    %dma_start3A_60 = arith.constant 100 : i32
    %dma_start3A_61 = arith.constant 0 : i32
    %dma_start3A_62 = tpu.memref_slice %arg7[%dma_start3A_60, %dma_start3A_61] : memref<200x64xf32, #tpu.memory_space<vmem>> -> memref<100x64xf32, #tpu.memory_space<vmem>>
    %dma_start3A_63 = arith.constant 0 : i32
    %dma_start3A_64 = tpu.memref_slice %arg6[%dma_start3A_59, %dma_start3A_63] : memref<256x100xi32, #tpu.memory_space<vmem>> -> memref<1x100xi32, #tpu.memory_space<vmem>>
    %dma_start3A_65 = tpu.memref_squeeze %dma_start3A_64 : memref<1x100xi32, #tpu.memory_space<vmem>> -> memref<100xi32, #tpu.memory_space<vmem>>
    %dma_start3A_66 = arith.constant 0 : i32
    %dma_start3A_67 = arith.constant 0 : i32
    %dma_start3A_68 = tpu.memref_slice %arg3[%dma_start3A_66, %dma_start3A_67] : memref<1000000x64xf32, #tpu.memory_space<hbm>> -> memref<1000000x64xf32, #tpu.memory_space<hbm>>
    tpu.enqueue_indirect_dma source(%dma_start3A_68 : memref<1000000x64xf32, #tpu.memory_space<hbm>>) target(%dma_start3A_62 : memref<100x64xf32, #tpu.memory_space<vmem>>) offsets(%dma_start3A_65 : memref<100xi32, #tpu.memory_space<vmem>>) semaphore(%arg11 : memref<!tpu.dma_semaphore, #tpu.memory_space<semaphore_mem>>)
    %scan3A = arith.constant 0 : i32
    %scan3A_69 = arith.constant 0 : i32
    %scan3A_70 = arith.constant 64 : i32
    %scan3A_71 = arith.addi %scan3A_69, %scan3A_70 : i32
    %scan3A_72 = arith.constant 1 : i32
    scf.for %scan3A_74 = %scan3A_69 to %scan3A_71 step %scan3A_72  : i32 {
      %mul3A_75 = arith.constant 2 : i32
      %mul3A_76 = arith.muli %mul3A_75, %scan3A_74 : i32
      %add3A_77 = arith.constant 1 : i32
      %add3A_78 = arith.addi %mul3A_76, %add3A_77 : i32
      %mul3A_79 = arith.constant 2 : i32
      %mul3A_80 = arith.muli %mul3A_79, %add3A_78 : i32
      %dma_start3A_81 = arith.constant 0 : i32
      %dma_start3A_82 = arith.constant 0 : i32
      %dma_start3A_83 = tpu.memref_slice %arg8[%dma_start3A_81, %dma_start3A_82] : memref<200x64xf32, #tpu.memory_space<vmem>> -> memref<100x64xf32, #tpu.memory_space<vmem>>
      %dma_start3A_84 = arith.constant 0 : i32
      %dma_start3A_85 = tpu.memref_slice %arg6[%mul3A_80, %dma_start3A_84] : memref<256x100xi32, #tpu.memory_space<vmem>> -> memref<1x100xi32, #tpu.memory_space<vmem>>
      %dma_start3A_86 = tpu.memref_squeeze %dma_start3A_85 : memref<1x100xi32, #tpu.memory_space<vmem>> -> memref<100xi32, #tpu.memory_space<vmem>>
      %dma_start3A_87 = arith.constant 0 : i32
      %dma_start3A_88 = arith.constant 0 : i32
      %dma_start3A_89 = tpu.memref_slice %arg3[%dma_start3A_87, %dma_start3A_88] : memref<1000000x64xf32, #tpu.memory_space<hbm>> -> memref<1000000x64xf32, #tpu.memory_space<hbm>>
      tpu.enqueue_indirect_dma source(%dma_start3A_89 : memref<1000000x64xf32, #tpu.memory_space<hbm>>) target(%dma_start3A_83 : memref<100x64xf32, #tpu.memory_space<vmem>>) offsets(%dma_start3A_86 : memref<100xi32, #tpu.memory_space<vmem>>) semaphore(%arg12 : memref<!tpu.dma_semaphore, #tpu.memory_space<semaphore_mem>>)
      %mul3A_90 = arith.constant 2 : i32
      %mul3A_91 = arith.muli %mul3A_90, %add3A_78 : i32
      %add3A_92 = arith.constant 1 : i32
      %add3A_93 = arith.addi %mul3A_91, %add3A_92 : i32
      %dma_start3A_94 = arith.constant 100 : i32
      %dma_start3A_95 = arith.constant 0 : i32
      %dma_start3A_96 = tpu.memref_slice %arg8[%dma_start3A_94, %dma_start3A_95] : memref<200x64xf32, #tpu.memory_space<vmem>> -> memref<100x64xf32, #tpu.memory_space<vmem>>
      %dma_start3A_97 = arith.constant 0 : i32
      %dma_start3A_98 = tpu.memref_slice %arg6[%add3A_93, %dma_start3A_97] : memref<256x100xi32, #tpu.memory_space<vmem>> -> memref<1x100xi32, #tpu.memory_space<vmem>>
      %dma_start3A_99 = tpu.memref_squeeze %dma_start3A_98 : memref<1x100xi32, #tpu.memory_space<vmem>> -> memref<100xi32, #tpu.memory_space<vmem>>
      %dma_start3A_100 = arith.constant 0 : i32
      %dma_start3A_101 = arith.constant 0 : i32
      %dma_start3A_102 = tpu.memref_slice %arg3[%dma_start3A_100, %dma_start3A_101] : memref<1000000x64xf32, #tpu.memory_space<hbm>> -> memref<1000000x64xf32, #tpu.memory_space<hbm>>
      tpu.enqueue_indirect_dma source(%dma_start3A_102 : memref<1000000x64xf32, #tpu.memory_space<hbm>>) target(%dma_start3A_96 : memref<100x64xf32, #tpu.memory_space<vmem>>) offsets(%dma_start3A_99 : memref<100xi32, #tpu.memory_space<vmem>>) semaphore(%arg12 : memref<!tpu.dma_semaphore, #tpu.memory_space<semaphore_mem>>)
      %dma_wait3A = arith.constant 0 : i32
      %dma_wait3A_103 = arith.constant 0 : i32
      %dma_wait3A_104 = arith.constant 0 : i32
      %dma_wait3A_105 = tpu.memref_slice %arg7[%dma_wait3A_103, %dma_wait3A_104] : memref<200x64xf32, #tpu.memory_space<vmem>> -> memref<100x64xf32, #tpu.memory_space<vmem>>
      %dma_wait3A_106 = arith.constant 0 : i32
      %dma_wait3A_107 = tpu.memref_slice %arg6[%dma_wait3A, %dma_wait3A_106] : memref<256x100xi32, #tpu.memory_space<vmem>> -> memref<1x100xi32, #tpu.memory_space<vmem>>
      %dma_wait3A_108 = tpu.memref_squeeze %dma_wait3A_107 : memref<1x100xi32, #tpu.memory_space<vmem>> -> memref<100xi32, #tpu.memory_space<vmem>>
      %dma_wait3A_109 = arith.constant 0 : i32
      %dma_wait3A_110 = arith.constant 0 : i32
      %dma_wait3A_111 = tpu.memref_slice %arg3[%dma_wait3A_109, %dma_wait3A_110] : memref<1000000x64xf32, #tpu.memory_space<hbm>> -> memref<1000000x64xf32, #tpu.memory_space<hbm>>
      tpu.wait_indirect_dma semaphore(%arg11 : memref<!tpu.dma_semaphore, #tpu.memory_space<semaphore_mem>>) src(%dma_wait3A_111 : memref<1000000x64xf32, #tpu.memory_space<hbm>>) dst(%dma_wait3A_105 : memref<100x64xf32, #tpu.memory_space<vmem>>)
      %dma_wait3A_112 = arith.constant 0 : i32
      %dma_wait3A_113 = arith.constant 100 : i32
      %dma_wait3A_114 = arith.constant 0 : i32
      %dma_wait3A_115 = tpu.memref_slice %arg7[%dma_wait3A_113, %dma_wait3A_114] : memref<200x64xf32, #tpu.memory_space<vmem>> -> memref<100x64xf32, #tpu.memory_space<vmem>>
      %dma_wait3A_116 = arith.constant 0 : i32
      %dma_wait3A_117 = tpu.memref_slice %arg6[%dma_wait3A_112, %dma_wait3A_116] : memref<256x100xi32, #tpu.memory_space<vmem>> -> memref<1x100xi32, #tpu.memory_space<vmem>>
      %dma_wait3A_118 = tpu.memref_squeeze %dma_wait3A_117 : memref<1x100xi32, #tpu.memory_space<vmem>> -> memref<100xi32, #tpu.memory_space<vmem>>
      %dma_wait3A_119 = arith.constant 0 : i32
      %dma_wait3A_120 = arith.constant 0 : i32
      %dma_wait3A_121 = tpu.memref_slice %arg3[%dma_wait3A_119, %dma_wait3A_120] : memref<1000000x64xf32, #tpu.memory_space<hbm>> -> memref<1000000x64xf32, #tpu.memory_space<hbm>>
      tpu.wait_indirect_dma semaphore(%arg11 : memref<!tpu.dma_semaphore, #tpu.memory_space<semaphore_mem>>) src(%dma_wait3A_121 : memref<1000000x64xf32, #tpu.memory_space<hbm>>) dst(%dma_wait3A_115 : memref<100x64xf32, #tpu.memory_space<vmem>>)
      %mul3A_122 = arith.constant 2 : i32
      %mul3A_123 = arith.muli %mul3A_122, %scan3A_74 : i32
      %broadcast_in_dim3A = arith.constant 0.000000e+00 : f32
      %broadcast_in_dim3A_124 = vector.broadcast %broadcast_in_dim3A : f32 to vector<16xf32>
      %scan3A_125 = arith.constant 0 : i32
      %scan3A_126 = arith.constant 25 : i32
      %scan3A_127 = arith.addi %scan3A_125, %scan3A_126 : i32
      %scan3A_128 = arith.constant 1 : i32
      %scan3A_129:4 = scf.for %scan3A_225 = %scan3A_125 to %scan3A_127 step %scan3A_128 iter_args(%scan3A_226 = %broadcast_in_dim3A_124, %scan3A_227 = %broadcast_in_dim3A_124, %scan3A_228 = %broadcast_in_dim3A_124, %scan3A_229 = %broadcast_in_dim3A_124) -> (vector<16xf32>, vector<16xf32>, vector<16xf32>, vector<16xf32>)  : i32 {
        %mul3A_230 = arith.constant 8 : i32
        %mul3A_231 = arith.muli %scan3A_225, %mul3A_230 : i32
        %add3A_232 = arith.constant 0 : i32
        %add3A_233 = arith.addi %mul3A_231, %add3A_232 : i32
        %get3A_234 = arith.index_cast %add3A_233 : i32 to index
        %get3A_235 = arith.constant 0 : index
        %get3A_236 = tpu.vector_load %arg7[%get3A_234, %get3A_235] {strides = array<i32>} : memref<200x64xf32, #tpu.memory_space<vmem>>, vector<16xf32>,
        %add3A_237 = arith.addf %scan3A_226, %get3A_236 : vector<16xf32>
        %get3A_238 = arith.index_cast %add3A_233 : i32 to index
        %get3A_239 = arith.constant 16 : index
        %get3A_240 = tpu.vector_load %arg7[%get3A_238, %get3A_239] {strides = array<i32>} : memref<200x64xf32, #tpu.memory_space<vmem>>, vector<16xf32>,
        %add3A_241 = arith.addf %scan3A_227, %get3A_240 : vector<16xf32>
        %get3A_242 = arith.index_cast %add3A_233 : i32 to index
        %get3A_243 = arith.constant 32 : index
        %get3A_244 = tpu.vector_load %arg7[%get3A_242, %get3A_243] {strides = array<i32>} : memref<200x64xf32, #tpu.memory_space<vmem>>, vector<16xf32>,
        %add3A_245 = arith.addf %scan3A_228, %get3A_244 : vector<16xf32>
        %get3A_246 = arith.index_cast %add3A_233 : i32 to index
        %get3A_247 = arith.constant 48 : index
        %get3A_248 = tpu.vector_load %arg7[%get3A_246, %get3A_247] {strides = array<i32>} : memref<200x64xf32, #tpu.memory_space<vmem>>, vector<16xf32>,
        %add3A_249 = arith.addf %scan3A_229, %get3A_248 : vector<16xf32>
        %mul3A_250 = arith.constant 8 : i32
        %mul3A_251 = arith.muli %scan3A_225, %mul3A_250 : i32
        %add3A_252 = arith.constant 1 : i32
        %add3A_253 = arith.addi %mul3A_251, %add3A_252 : i32
        %get3A_254 = arith.index_cast %add3A_253 : i32 to index
        %get3A_255 = arith.constant 0 : index
        %get3A_256 = tpu.vector_load %arg7[%get3A_254, %get3A_255] {strides = array<i32>} : memref<200x64xf32, #tpu.memory_space<vmem>>, vector<16xf32>,
        %add3A_257 = arith.addf %add3A_237, %get3A_256 : vector<16xf32>
        %get3A_258 = arith.index_cast %add3A_253 : i32 to index
        %get3A_259 = arith.constant 16 : index
        %get3A_260 = tpu.vector_load %arg7[%get3A_258, %get3A_259] {strides = array<i32>} : memref<200x64xf32, #tpu.memory_space<vmem>>, vector<16xf32>,
        %add3A_261 = arith.addf %add3A_241, %get3A_260 : vector<16xf32>
        %get3A_262 = arith.index_cast %add3A_253 : i32 to index
        %get3A_263 = arith.constant 32 : index
        %get3A_264 = tpu.vector_load %arg7[%get3A_262, %get3A_263] {strides = array<i32>} : memref<200x64xf32, #tpu.memory_space<vmem>>, vector<16xf32>,
        %add3A_265 = arith.addf %add3A_245, %get3A_264 : vector<16xf32>
        %get3A_266 = arith.index_cast %add3A_253 : i32 to index
        %get3A_267 = arith.constant 48 : index
        %get3A_268 = tpu.vector_load %arg7[%get3A_266, %get3A_267] {strides = array<i32>} : memref<200x64xf32, #tpu.memory_space<vmem>>, vector<16xf32>,
        %add3A_269 = arith.addf %add3A_249, %get3A_268 : vector<16xf32>
        %mul3A_270 = arith.constant 8 : i32
        %mul3A_271 = arith.muli %scan3A_225, %mul3A_270 : i32
        %add3A_272 = arith.constant 2 : i32
        %add3A_273 = arith.addi %mul3A_271, %add3A_272 : i32
        %get3A_274 = arith.index_cast %add3A_273 : i32 to index
        %get3A_275 = arith.constant 0 : index
        %get3A_276 = tpu.vector_load %arg7[%get3A_274, %get3A_275] {strides = array<i32>} : memref<200x64xf32, #tpu.memory_space<vmem>>, vector<16xf32>,
        %add3A_277 = arith.addf %add3A_257, %get3A_276 : vector<16xf32>
        %get3A_278 = arith.index_cast %add3A_273 : i32 to index
        %get3A_279 = arith.constant 16 : index
        %get3A_280 = tpu.vector_load %arg7[%get3A_278, %get3A_279] {strides = array<i32>} : memref<200x64xf32, #tpu.memory_space<vmem>>, vector<16xf32>,
        %add3A_281 = arith.addf %add3A_261, %get3A_280 : vector<16xf32>
        %get3A_282 = arith.index_cast %add3A_273 : i32 to index
        %get3A_283 = arith.constant 32 : index
        %get3A_284 = tpu.vector_load %arg7[%get3A_282, %get3A_283] {strides = array<i32>} : memref<200x64xf32, #tpu.memory_space<vmem>>, vector<16xf32>,
        %add3A_285 = arith.addf %add3A_265, %get3A_284 : vector<16xf32>
        %get3A_286 = arith.index_cast %add3A_273 : i32 to index
        %get3A_287 = arith.constant 48 : index
        %get3A_288 = tpu.vector_load %arg7[%get3A_286, %get3A_287] {strides = array<i32>} : memref<200x64xf32, #tpu.memory_space<vmem>>, vector<16xf32>,
        %add3A_289 = arith.addf %add3A_269, %get3A_288 : vector<16xf32>
        %mul3A_290 = arith.constant 8 : i32
        %mul3A_291 = arith.muli %scan3A_225, %mul3A_290 : i32
        %add3A_292 = arith.constant 3 : i32
        %add3A_293 = arith.addi %mul3A_291, %add3A_292 : i32
        %get3A_294 = arith.index_cast %add3A_293 : i32 to index
        %get3A_295 = arith.constant 0 : index
        %get3A_296 = tpu.vector_load %arg7[%get3A_294, %get3A_295] {strides = array<i32>} : memref<200x64xf32, #tpu.memory_space<vmem>>, vector<16xf32>,
        %add3A_297 = arith.addf %add3A_277, %get3A_296 : vector<16xf32>
        %get3A_298 = arith.index_cast %add3A_293 : i32 to index
        %get3A_299 = arith.constant 16 : index
        %get3A_300 = tpu.vector_load %arg7[%get3A_298, %get3A_299] {strides = array<i32>} : memref<200x64xf32, #tpu.memory_space<vmem>>, vector<16xf32>,
        %add3A_301 = arith.addf %add3A_281, %get3A_300 : vector<16xf32>
        %get3A_302 = arith.index_cast %add3A_293 : i32 to index
        %get3A_303 = arith.constant 32 : index
        %get3A_304 = tpu.vector_load %arg7[%get3A_302, %get3A_303] {strides = array<i32>} : memref<200x64xf32, #tpu.memory_space<vmem>>, vector<16xf32>,
        %add3A_305 = arith.addf %add3A_285, %get3A_304 : vector<16xf32>
        %get3A_306 = arith.index_cast %add3A_293 : i32 to index
        %get3A_307 = arith.constant 48 : index
        %get3A_308 = tpu.vector_load %arg7[%get3A_306, %get3A_307] {strides = array<i32>} : memref<200x64xf32, #tpu.memory_space<vmem>>, vector<16xf32>,
        %add3A_309 = arith.addf %add3A_289, %get3A_308 : vector<16xf32>
        %mul3A_310 = arith.constant 8 : i32
        %mul3A_311 = arith.muli %scan3A_225, %mul3A_310 : i32
        %add3A_312 = arith.constant 4 : i32
        %add3A_313 = arith.addi %mul3A_311, %add3A_312 : i32
        %get3A_314 = arith.index_cast %add3A_313 : i32 to index
        %get3A_315 = arith.constant 0 : index
        %get3A_316 = tpu.vector_load %arg7[%get3A_314, %get3A_315] {strides = array<i32>} : memref<200x64xf32, #tpu.memory_space<vmem>>, vector<16xf32>,
        %add3A_317 = arith.addf %add3A_297, %get3A_316 : vector<16xf32>
        %get3A_318 = arith.index_cast %add3A_313 : i32 to index
        %get3A_319 = arith.constant 16 : index
        %get3A_320 = tpu.vector_load %arg7[%get3A_318, %get3A_319] {strides = array<i32>} : memref<200x64xf32, #tpu.memory_space<vmem>>, vector<16xf32>,
        %add3A_321 = arith.addf %add3A_301, %get3A_320 : vector<16xf32>
        %get3A_322 = arith.index_cast %add3A_313 : i32 to index
        %get3A_323 = arith.constant 32 : index
        %get3A_324 = tpu.vector_load %arg7[%get3A_322, %get3A_323] {strides = array<i32>} : memref<200x64xf32, #tpu.memory_space<vmem>>, vector<16xf32>,
        %add3A_325 = arith.addf %add3A_305, %get3A_324 : vector<16xf32>
        %get3A_326 = arith.index_cast %add3A_313 : i32 to index
        %get3A_327 = arith.constant 48 : index
        %get3A_328 = tpu.vector_load %arg7[%get3A_326, %get3A_327] {strides = array<i32>} : memref<200x64xf32, #tpu.memory_space<vmem>>, vector<16xf32>,
        %add3A_329 = arith.addf %add3A_309, %get3A_328 : vector<16xf32>
        %mul3A_330 = arith.constant 8 : i32
        %mul3A_331 = arith.muli %scan3A_225, %mul3A_330 : i32
        %add3A_332 = arith.constant 5 : i32
        %add3A_333 = arith.addi %mul3A_331, %add3A_332 : i32
        %get3A_334 = arith.index_cast %add3A_333 : i32 to index
        %get3A_335 = arith.constant 0 : index
        %get3A_336 = tpu.vector_load %arg7[%get3A_334, %get3A_335] {strides = array<i32>} : memref<200x64xf32, #tpu.memory_space<vmem>>, vector<16xf32>,
        %add3A_337 = arith.addf %add3A_317, %get3A_336 : vector<16xf32>
        %get3A_338 = arith.index_cast %add3A_333 : i32 to index
        %get3A_339 = arith.constant 16 : index
        %get3A_340 = tpu.vector_load %arg7[%get3A_338, %get3A_339] {strides = array<i32>} : memref<200x64xf32, #tpu.memory_space<vmem>>, vector<16xf32>,
        %add3A_341 = arith.addf %add3A_321, %get3A_340 : vector<16xf32>
        %get3A_342 = arith.index_cast %add3A_333 : i32 to index
        %get3A_343 = arith.constant 32 : index
        %get3A_344 = tpu.vector_load %arg7[%get3A_342, %get3A_343] {strides = array<i32>} : memref<200x64xf32, #tpu.memory_space<vmem>>, vector<16xf32>,
        %add3A_345 = arith.addf %add3A_325, %get3A_344 : vector<16xf32>
        %get3A_346 = arith.index_cast %add3A_333 : i32 to index
        %get3A_347 = arith.constant 48 : index
        %get3A_348 = tpu.vector_load %arg7[%get3A_346, %get3A_347] {strides = array<i32>} : memref<200x64xf32, #tpu.memory_space<vmem>>, vector<16xf32>,
        %add3A_349 = arith.addf %add3A_329, %get3A_348 : vector<16xf32>
        %mul3A_350 = arith.constant 8 : i32
        %mul3A_351 = arith.muli %scan3A_225, %mul3A_350 : i32
        %add3A_352 = arith.constant 6 : i32
        %add3A_353 = arith.addi %mul3A_351, %add3A_352 : i32
        %get3A_354 = arith.index_cast %add3A_353 : i32 to index
        %get3A_355 = arith.constant 0 : index
        %get3A_356 = tpu.vector_load %arg7[%get3A_354, %get3A_355] {strides = array<i32>} : memref<200x64xf32, #tpu.memory_space<vmem>>, vector<16xf32>,
        %add3A_357 = arith.addf %add3A_337, %get3A_356 : vector<16xf32>
        %get3A_358 = arith.index_cast %add3A_353 : i32 to index
        %get3A_359 = arith.constant 16 : index
        %get3A_360 = tpu.vector_load %arg7[%get3A_358, %get3A_359] {strides = array<i32>} : memref<200x64xf32, #tpu.memory_space<vmem>>, vector<16xf32>,
        %add3A_361 = arith.addf %add3A_341, %get3A_360 : vector<16xf32>
        %get3A_362 = arith.index_cast %add3A_353 : i32 to index
        %get3A_363 = arith.constant 32 : index
        %get3A_364 = tpu.vector_load %arg7[%get3A_362, %get3A_363] {strides = array<i32>} : memref<200x64xf32, #tpu.memory_space<vmem>>, vector<16xf32>,
        %add3A_365 = arith.addf %add3A_345, %get3A_364 : vector<16xf32>
        %get3A_366 = arith.index_cast %add3A_353 : i32 to index
        %get3A_367 = arith.constant 48 : index
        %get3A_368 = tpu.vector_load %arg7[%get3A_366, %get3A_367] {strides = array<i32>} : memref<200x64xf32, #tpu.memory_space<vmem>>, vector<16xf32>,
        %add3A_369 = arith.addf %add3A_349, %get3A_368 : vector<16xf32>
        %mul3A_370 = arith.constant 8 : i32
        %mul3A_371 = arith.muli %scan3A_225, %mul3A_370 : i32
        %add3A_372 = arith.constant 7 : i32
        %add3A_373 = arith.addi %mul3A_371, %add3A_372 : i32
        %get3A_374 = arith.index_cast %add3A_373 : i32 to index
        %get3A_375 = arith.constant 0 : index
        %get3A_376 = tpu.vector_load %arg7[%get3A_374, %get3A_375] {strides = array<i32>} : memref<200x64xf32, #tpu.memory_space<vmem>>, vector<16xf32>,
        %add3A_377 = arith.addf %add3A_357, %get3A_376 : vector<16xf32>
        %get3A_378 = arith.index_cast %add3A_373 : i32 to index
        %get3A_379 = arith.constant 16 : index
        %get3A_380 = tpu.vector_load %arg7[%get3A_378, %get3A_379] {strides = array<i32>} : memref<200x64xf32, #tpu.memory_space<vmem>>, vector<16xf32>,
        %add3A_381 = arith.addf %add3A_361, %get3A_380 : vector<16xf32>
        %get3A_382 = arith.index_cast %add3A_373 : i32 to index
        %get3A_383 = arith.constant 32 : index
        %get3A_384 = tpu.vector_load %arg7[%get3A_382, %get3A_383] {strides = array<i32>} : memref<200x64xf32, #tpu.memory_space<vmem>>, vector<16xf32>,
        %add3A_385 = arith.addf %add3A_365, %get3A_384 : vector<16xf32>
        %get3A_386 = arith.index_cast %add3A_373 : i32 to index
        %get3A_387 = arith.constant 48 : index
        %get3A_388 = tpu.vector_load %arg7[%get3A_386, %get3A_387] {strides = array<i32>} : memref<200x64xf32, #tpu.memory_space<vmem>>, vector<16xf32>,
        %add3A_389 = arith.addf %add3A_369, %get3A_388 : vector<16xf32>
        scf.yield %add3A_377, %add3A_381, %add3A_385, %add3A_389 : vector<16xf32>, vector<16xf32>, vector<16xf32>, vector<16xf32>
      }
      %scan3A_130 = arith.constant 25 : i32
      %mul3A_131 = arith.mulf %scan3A_129#0, %get3A_7 : vector<16xf32>
      %mul3A_132 = arith.mulf %scan3A_129#1, %get3A_11 : vector<16xf32>
      %add3A_133 = arith.addf %mul3A_131, %mul3A_132 : vector<16xf32>
      %mul3A_134 = arith.mulf %scan3A_129#2, %get3A_15 : vector<16xf32>
      %add3A_135 = arith.addf %add3A_133, %mul3A_134 : vector<16xf32>
      %mul3A_136 = arith.mulf %scan3A_129#3, %get3A_19 : vector<16xf32>
      %add3A_137 = arith.addf %add3A_135, %mul3A_136 : vector<16xf32>
      %reduce_sum3A = arith.constant true
      %reduce_sum3A_138 = vector.broadcast %reduce_sum3A : i1 to vector<16xi1>
      %reduce_sum3A_139 = tpu.scan <sum>, %add3A_137 masked %reduce_sum3A_138 : vector<16xf32>, vector<16xi1> -> vector<16xf32>
      %reduce_sum3A_140 = vector.extract %reduce_sum3A_139[15] : f32 from vector<16xf32>
      %add3A_141 = arith.addf %reduce_sum3A_140, %squeeze3A : f32
      %mul3A_142 = arith.mulf %scan3A_129#0, %get3A_23 : vector<16xf32>
      %mul3A_143 = arith.mulf %scan3A_129#1, %get3A_27 : vector<16xf32>
      %add3A_144 = arith.addf %mul3A_142, %mul3A_143 : vector<16xf32>
      %mul3A_145 = arith.mulf %scan3A_129#2, %get3A_31 : vector<16xf32>
      %add3A_146 = arith.addf %add3A_144, %mul3A_145 : vector<16xf32>
      %mul3A_147 = arith.mulf %scan3A_129#3, %get3A_35 : vector<16xf32>
      %add3A_148 = arith.addf %add3A_146, %mul3A_147 : vector<16xf32>
      %reduce_sum3A_149 = arith.constant true
      %reduce_sum3A_150 = vector.broadcast %reduce_sum3A_149 : i1 to vector<16xi1>
      %reduce_sum3A_151 = tpu.scan <sum>, %add3A_148 masked %reduce_sum3A_150 : vector<16xf32>, vector<16xi1> -> vector<16xf32>
      %reduce_sum3A_152 = vector.extract %reduce_sum3A_151[15] : f32 from vector<16xf32>
      %add3A_153 = arith.addf %reduce_sum3A_152, %squeeze3A_45 : f32
      %eq3A = arith.constant 0 : i32
      %eq3A_154 = vector.broadcast %eq3A : i32 to vector<16xi32>
      %eq3A_155 = arith.cmpi eq, %iota3A, %eq3A_154 : vector<16xi32>
      %broadcast_in_dim3A_156 = vector.broadcast %add3A_141 : f32 to vector<16xf32>
      %broadcast_in_dim3A_157 = vector.broadcast %add3A_153 : f32 to vector<16xf32>
      %select_n3A = arith.select %eq3A_155, %broadcast_in_dim3A_156, %broadcast_in_dim3A_157 : vector<16xi1>, vector<16xf32>
      %broadcast_in_dim3A_158 = vector.broadcast %mul3A_123 : i32 to vector<16xi32>
      tpu.vector_store_idx %arg10[%broadcast_in_dim3A_158, %min3A_47], %select_n3A masked %lt3A_49 : memref<128x2xf32, #tpu.memory_space<vmem>>[vector<16xi32>, vector<16xi32>], vector<16xf32>, vector<16xi1>
      %lt3A_159 = arith.constant 63 : i32
      %lt3A_160 = arith.cmpi slt, %scan3A_74, %lt3A_159 : i32
      %convert_element_type3A = arith.extui %lt3A_160 : i1 to i32
      %cond3A = arith.constant 0 : i32
      %cond3A_161 = arith.cmpi ne, %convert_element_type3A, %cond3A : i32
      scf.if %cond3A_161 {
        %mul3A_225 = arith.constant 2 : i32
        %mul3A_226 = arith.muli %mul3A_225, %scan3A_74 : i32
        %add3A_227 = arith.constant 2 : i32
        %add3A_228 = arith.addi %mul3A_226, %add3A_227 : i32
        %mul3A_229 = arith.constant 2 : i32
        %mul3A_230 = arith.muli %mul3A_229, %add3A_228 : i32
        %dma_start3A_231 = arith.constant 0 : i32
        %dma_start3A_232 = arith.constant 0 : i32
        %dma_start3A_233 = tpu.memref_slice %arg7[%dma_start3A_231, %dma_start3A_232] : memref<200x64xf32, #tpu.memory_space<vmem>> -> memref<100x64xf32, #tpu.memory_space<vmem>>
        %dma_start3A_234 = arith.constant 0 : i32
        %dma_start3A_235 = tpu.memref_slice %arg6[%mul3A_230, %dma_start3A_234] : memref<256x100xi32, #tpu.memory_space<vmem>> -> memref<1x100xi32, #tpu.memory_space<vmem>>
        %dma_start3A_236 = tpu.memref_squeeze %dma_start3A_235 : memref<1x100xi32, #tpu.memory_space<vmem>> -> memref<100xi32, #tpu.memory_space<vmem>>
        %dma_start3A_237 = arith.constant 0 : i32
        %dma_start3A_238 = arith.constant 0 : i32
        %dma_start3A_239 = tpu.memref_slice %arg3[%dma_start3A_237, %dma_start3A_238] : memref<1000000x64xf32, #tpu.memory_space<hbm>> -> memref<1000000x64xf32, #tpu.memory_space<hbm>>
        tpu.enqueue_indirect_dma source(%dma_start3A_239 : memref<1000000x64xf32, #tpu.memory_space<hbm>>) target(%dma_start3A_233 : memref<100x64xf32, #tpu.memory_space<vmem>>) offsets(%dma_start3A_236 : memref<100xi32, #tpu.memory_space<vmem>>) semaphore(%arg11 : memref<!tpu.dma_semaphore, #tpu.memory_space<semaphore_mem>>)
        %mul3A_240 = arith.constant 2 : i32
        %mul3A_241 = arith.muli %mul3A_240, %add3A_228 : i32
        %add3A_242 = arith.constant 1 : i32
        %add3A_243 = arith.addi %mul3A_241, %add3A_242 : i32
        %dma_start3A_244 = arith.constant 100 : i32
        %dma_start3A_245 = arith.constant 0 : i32
        %dma_start3A_246 = tpu.memref_slice %arg7[%dma_start3A_244, %dma_start3A_245] : memref<200x64xf32, #tpu.memory_space<vmem>> -> memref<100x64xf32, #tpu.memory_space<vmem>>
        %dma_start3A_247 = arith.constant 0 : i32
        %dma_start3A_248 = tpu.memref_slice %arg6[%add3A_243, %dma_start3A_247] : memref<256x100xi32, #tpu.memory_space<vmem>> -> memref<1x100xi32, #tpu.memory_space<vmem>>
        %dma_start3A_249 = tpu.memref_squeeze %dma_start3A_248 : memref<1x100xi32, #tpu.memory_space<vmem>> -> memref<100xi32, #tpu.memory_space<vmem>>
        %dma_start3A_250 = arith.constant 0 : i32
        %dma_start3A_251 = arith.constant 0 : i32
        %dma_start3A_252 = tpu.memref_slice %arg3[%dma_start3A_250, %dma_start3A_251] : memref<1000000x64xf32, #tpu.memory_space<hbm>> -> memref<1000000x64xf32, #tpu.memory_space<hbm>>
        tpu.enqueue_indirect_dma source(%dma_start3A_252 : memref<1000000x64xf32, #tpu.memory_space<hbm>>) target(%dma_start3A_246 : memref<100x64xf32, #tpu.memory_space<vmem>>) offsets(%dma_start3A_249 : memref<100xi32, #tpu.memory_space<vmem>>) semaphore(%arg11 : memref<!tpu.dma_semaphore, #tpu.memory_space<semaphore_mem>>)
      } else {
      }
      %dma_wait3A_162 = arith.constant 0 : i32
      %dma_wait3A_163 = arith.constant 0 : i32
      %dma_wait3A_164 = arith.constant 0 : i32
      %dma_wait3A_165 = tpu.memref_slice %arg8[%dma_wait3A_163, %dma_wait3A_164] : memref<200x64xf32, #tpu.memory_space<vmem>> -> memref<100x64xf32, #tpu.memory_space<vmem>>
      %dma_wait3A_166 = arith.constant 0 : i32
      %dma_wait3A_167 = tpu.memref_slice %arg6[%dma_wait3A_162, %dma_wait3A_166] : memref<256x100xi32, #tpu.memory_space<vmem>> -> memref<1x100xi32, #tpu.memory_space<vmem>>
      %dma_wait3A_168 = tpu.memref_squeeze %dma_wait3A_167 : memref<1x100xi32, #tpu.memory_space<vmem>> -> memref<100xi32, #tpu.memory_space<vmem>>
      %dma_wait3A_169 = arith.constant 0 : i32
      %dma_wait3A_170 = arith.constant 0 : i32
      %dma_wait3A_171 = tpu.memref_slice %arg3[%dma_wait3A_169, %dma_wait3A_170] : memref<1000000x64xf32, #tpu.memory_space<hbm>> -> memref<1000000x64xf32, #tpu.memory_space<hbm>>
      tpu.wait_indirect_dma semaphore(%arg12 : memref<!tpu.dma_semaphore, #tpu.memory_space<semaphore_mem>>) src(%dma_wait3A_171 : memref<1000000x64xf32, #tpu.memory_space<hbm>>) dst(%dma_wait3A_165 : memref<100x64xf32, #tpu.memory_space<vmem>>)
      %dma_wait3A_172 = arith.constant 0 : i32
      %dma_wait3A_173 = arith.constant 100 : i32
      %dma_wait3A_174 = arith.constant 0 : i32
      %dma_wait3A_175 = tpu.memref_slice %arg8[%dma_wait3A_173, %dma_wait3A_174] : memref<200x64xf32, #tpu.memory_space<vmem>> -> memref<100x64xf32, #tpu.memory_space<vmem>>
      %dma_wait3A_176 = arith.constant 0 : i32
      %dma_wait3A_177 = tpu.memref_slice %arg6[%dma_wait3A_172, %dma_wait3A_176] : memref<256x100xi32, #tpu.memory_space<vmem>> -> memref<1x100xi32, #tpu.memory_space<vmem>>
      %dma_wait3A_178 = tpu.memref_squeeze %dma_wait3A_177 : memref<1x100xi32, #tpu.memory_space<vmem>> -> memref<100xi32, #tpu.memory_space<vmem>>
      %dma_wait3A_179 = arith.constant 0 : i32
      %dma_wait3A_180 = arith.constant 0 : i32
      %dma_wait3A_181 = tpu.memref_slice %arg3[%dma_wait3A_179, %dma_wait3A_180] : memref<1000000x64xf32, #tpu.memory_space<hbm>> -> memref<1000000x64xf32, #tpu.memory_space<hbm>>
      tpu.wait_indirect_dma semaphore(%arg12 : memref<!tpu.dma_semaphore, #tpu.memory_space<semaphore_mem>>) src(%dma_wait3A_181 : memref<1000000x64xf32, #tpu.memory_space<hbm>>) dst(%dma_wait3A_175 : memref<100x64xf32, #tpu.memory_space<vmem>>)
      %mul3A_182 = arith.constant 2 : i32
      %mul3A_183 = arith.muli %mul3A_182, %scan3A_74 : i32
      %add3A_184 = arith.constant 1 : i32
      %add3A_185 = arith.addi %mul3A_183, %add3A_184 : i32
      %broadcast_in_dim3A_186 = arith.constant 0.000000e+00 : f32
      %broadcast_in_dim3A_187 = vector.broadcast %broadcast_in_dim3A_186 : f32 to vector<16xf32>
      %scan3A_188 = arith.constant 0 : i32
      %scan3A_189 = arith.constant 25 : i32
      %scan3A_190 = arith.addi %scan3A_188, %scan3A_189 : i32
      %scan3A_191 = arith.constant 1 : i32
      %scan3A_192:4 = scf.for %scan3A_225 = %scan3A_188 to %scan3A_190 step %scan3A_191 iter_args(%scan3A_226 = %broadcast_in_dim3A_187, %scan3A_227 = %broadcast_in_dim3A_187, %scan3A_228 = %broadcast_in_dim3A_187, %scan3A_229 = %broadcast_in_dim3A_187) -> (vector<16xf32>, vector<16xf32>, vector<16xf32>, vector<16xf32>)  : i32 {
        %mul3A_230 = arith.constant 8 : i32
        %mul3A_231 = arith.muli %scan3A_225, %mul3A_230 : i32
        %add3A_232 = arith.constant 0 : i32
        %add3A_233 = arith.addi %mul3A_231, %add3A_232 : i32
        %get3A_234 = arith.index_cast %add3A_233 : i32 to index
        %get3A_235 = arith.constant 0 : index
        %get3A_236 = tpu.vector_load %arg8[%get3A_234, %get3A_235] {strides = array<i32>} : memref<200x64xf32, #tpu.memory_space<vmem>>, vector<16xf32>,
        %add3A_237 = arith.addf %scan3A_226, %get3A_236 : vector<16xf32>
        %get3A_238 = arith.index_cast %add3A_233 : i32 to index
        %get3A_239 = arith.constant 16 : index
        %get3A_240 = tpu.vector_load %arg8[%get3A_238, %get3A_239] {strides = array<i32>} : memref<200x64xf32, #tpu.memory_space<vmem>>, vector<16xf32>,
        %add3A_241 = arith.addf %scan3A_227, %get3A_240 : vector<16xf32>
        %get3A_242 = arith.index_cast %add3A_233 : i32 to index
        %get3A_243 = arith.constant 32 : index
        %get3A_244 = tpu.vector_load %arg8[%get3A_242, %get3A_243] {strides = array<i32>} : memref<200x64xf32, #tpu.memory_space<vmem>>, vector<16xf32>,
        %add3A_245 = arith.addf %scan3A_228, %get3A_244 : vector<16xf32>
        %get3A_246 = arith.index_cast %add3A_233 : i32 to index
        %get3A_247 = arith.constant 48 : index
        %get3A_248 = tpu.vector_load %arg8[%get3A_246, %get3A_247] {strides = array<i32>} : memref<200x64xf32, #tpu.memory_space<vmem>>, vector<16xf32>,
        %add3A_249 = arith.addf %scan3A_229, %get3A_248 : vector<16xf32>
        %mul3A_250 = arith.constant 8 : i32
        %mul3A_251 = arith.muli %scan3A_225, %mul3A_250 : i32
        %add3A_252 = arith.constant 1 : i32
        %add3A_253 = arith.addi %mul3A_251, %add3A_252 : i32
        %get3A_254 = arith.index_cast %add3A_253 : i32 to index
        %get3A_255 = arith.constant 0 : index
        %get3A_256 = tpu.vector_load %arg8[%get3A_254, %get3A_255] {strides = array<i32>} : memref<200x64xf32, #tpu.memory_space<vmem>>, vector<16xf32>,
        %add3A_257 = arith.addf %add3A_237, %get3A_256 : vector<16xf32>
        %get3A_258 = arith.index_cast %add3A_253 : i32 to index
        %get3A_259 = arith.constant 16 : index
        %get3A_260 = tpu.vector_load %arg8[%get3A_258, %get3A_259] {strides = array<i32>} : memref<200x64xf32, #tpu.memory_space<vmem>>, vector<16xf32>,
        %add3A_261 = arith.addf %add3A_241, %get3A_260 : vector<16xf32>
        %get3A_262 = arith.index_cast %add3A_253 : i32 to index
        %get3A_263 = arith.constant 32 : index
        %get3A_264 = tpu.vector_load %arg8[%get3A_262, %get3A_263] {strides = array<i32>} : memref<200x64xf32, #tpu.memory_space<vmem>>, vector<16xf32>,
        %add3A_265 = arith.addf %add3A_245, %get3A_264 : vector<16xf32>
        %get3A_266 = arith.index_cast %add3A_253 : i32 to index
        %get3A_267 = arith.constant 48 : index
        %get3A_268 = tpu.vector_load %arg8[%get3A_266, %get3A_267] {strides = array<i32>} : memref<200x64xf32, #tpu.memory_space<vmem>>, vector<16xf32>,
        %add3A_269 = arith.addf %add3A_249, %get3A_268 : vector<16xf32>
        %mul3A_270 = arith.constant 8 : i32
        %mul3A_271 = arith.muli %scan3A_225, %mul3A_270 : i32
        %add3A_272 = arith.constant 2 : i32
        %add3A_273 = arith.addi %mul3A_271, %add3A_272 : i32
        %get3A_274 = arith.index_cast %add3A_273 : i32 to index
        %get3A_275 = arith.constant 0 : index
        %get3A_276 = tpu.vector_load %arg8[%get3A_274, %get3A_275] {strides = array<i32>} : memref<200x64xf32, #tpu.memory_space<vmem>>, vector<16xf32>,
        %add3A_277 = arith.addf %add3A_257, %get3A_276 : vector<16xf32>
        %get3A_278 = arith.index_cast %add3A_273 : i32 to index
        %get3A_279 = arith.constant 16 : index
        %get3A_280 = tpu.vector_load %arg8[%get3A_278, %get3A_279] {strides = array<i32>} : memref<200x64xf32, #tpu.memory_space<vmem>>, vector<16xf32>,
        %add3A_281 = arith.addf %add3A_261, %get3A_280 : vector<16xf32>
        %get3A_282 = arith.index_cast %add3A_273 : i32 to index
        %get3A_283 = arith.constant 32 : index
        %get3A_284 = tpu.vector_load %arg8[%get3A_282, %get3A_283] {strides = array<i32>} : memref<200x64xf32, #tpu.memory_space<vmem>>, vector<16xf32>,
        %add3A_285 = arith.addf %add3A_265, %get3A_284 : vector<16xf32>
        %get3A_286 = arith.index_cast %add3A_273 : i32 to index
        %get3A_287 = arith.constant 48 : index
        %get3A_288 = tpu.vector_load %arg8[%get3A_286, %get3A_287] {strides = array<i32>} : memref<200x64xf32, #tpu.memory_space<vmem>>, vector<16xf32>,
        %add3A_289 = arith.addf %add3A_269, %get3A_288 : vector<16xf32>
        %mul3A_290 = arith.constant 8 : i32
        %mul3A_291 = arith.muli %scan3A_225, %mul3A_290 : i32
        %add3A_292 = arith.constant 3 : i32
        %add3A_293 = arith.addi %mul3A_291, %add3A_292 : i32
        %get3A_294 = arith.index_cast %add3A_293 : i32 to index
        %get3A_295 = arith.constant 0 : index
        %get3A_296 = tpu.vector_load %arg8[%get3A_294, %get3A_295] {strides = array<i32>} : memref<200x64xf32, #tpu.memory_space<vmem>>, vector<16xf32>,
        %add3A_297 = arith.addf %add3A_277, %get3A_296 : vector<16xf32>
        %get3A_298 = arith.index_cast %add3A_293 : i32 to index
        %get3A_299 = arith.constant 16 : index
        %get3A_300 = tpu.vector_load %arg8[%get3A_298, %get3A_299] {strides = array<i32>} : memref<200x64xf32, #tpu.memory_space<vmem>>, vector<16xf32>,
        %add3A_301 = arith.addf %add3A_281, %get3A_300 : vector<16xf32>
        %get3A_302 = arith.index_cast %add3A_293 : i32 to index
        %get3A_303 = arith.constant 32 : index
        %get3A_304 = tpu.vector_load %arg8[%get3A_302, %get3A_303] {strides = array<i32>} : memref<200x64xf32, #tpu.memory_space<vmem>>, vector<16xf32>,
        %add3A_305 = arith.addf %add3A_285, %get3A_304 : vector<16xf32>
        %get3A_306 = arith.index_cast %add3A_293 : i32 to index
        %get3A_307 = arith.constant 48 : index
        %get3A_308 = tpu.vector_load %arg8[%get3A_306, %get3A_307] {strides = array<i32>} : memref<200x64xf32, #tpu.memory_space<vmem>>, vector<16xf32>,
        %add3A_309 = arith.addf %add3A_289, %get3A_308 : vector<16xf32>
        %mul3A_310 = arith.constant 8 : i32
        %mul3A_311 = arith.muli %scan3A_225, %mul3A_310 : i32
        %add3A_312 = arith.constant 4 : i32
        %add3A_313 = arith.addi %mul3A_311, %add3A_312 : i32
        %get3A_314 = arith.index_cast %add3A_313 : i32 to index
        %get3A_315 = arith.constant 0 : index
        %get3A_316 = tpu.vector_load %arg8[%get3A_314, %get3A_315] {strides = array<i32>} : memref<200x64xf32, #tpu.memory_space<vmem>>, vector<16xf32>,
        %add3A_317 = arith.addf %add3A_297, %get3A_316 : vector<16xf32>
        %get3A_318 = arith.index_cast %add3A_313 : i32 to index
        %get3A_319 = arith.constant 16 : index
        %get3A_320 = tpu.vector_load %arg8[%get3A_318, %get3A_319] {strides = array<i32>} : memref<200x64xf32, #tpu.memory_space<vmem>>, vector<16xf32>,
        %add3A_321 = arith.addf %add3A_301, %get3A_320 : vector<16xf32>
        %get3A_322 = arith.index_cast %add3A_313 : i32 to index
        %get3A_323 = arith.constant 32 : index
        %get3A_324 = tpu.vector_load %arg8[%get3A_322, %get3A_323] {strides = array<i32>} : memref<200x64xf32, #tpu.memory_space<vmem>>, vector<16xf32>,
        %add3A_325 = arith.addf %add3A_305, %get3A_324 : vector<16xf32>
        %get3A_326 = arith.index_cast %add3A_313 : i32 to index
        %get3A_327 = arith.constant 48 : index
        %get3A_328 = tpu.vector_load %arg8[%get3A_326, %get3A_327] {strides = array<i32>} : memref<200x64xf32, #tpu.memory_space<vmem>>, vector<16xf32>,
        %add3A_329 = arith.addf %add3A_309, %get3A_328 : vector<16xf32>
        %mul3A_330 = arith.constant 8 : i32
        %mul3A_331 = arith.muli %scan3A_225, %mul3A_330 : i32
        %add3A_332 = arith.constant 5 : i32
        %add3A_333 = arith.addi %mul3A_331, %add3A_332 : i32
        %get3A_334 = arith.index_cast %add3A_333 : i32 to index
        %get3A_335 = arith.constant 0 : index
        %get3A_336 = tpu.vector_load %arg8[%get3A_334, %get3A_335] {strides = array<i32>} : memref<200x64xf32, #tpu.memory_space<vmem>>, vector<16xf32>,
        %add3A_337 = arith.addf %add3A_317, %get3A_336 : vector<16xf32>
        %get3A_338 = arith.index_cast %add3A_333 : i32 to index
        %get3A_339 = arith.constant 16 : index
        %get3A_340 = tpu.vector_load %arg8[%get3A_338, %get3A_339] {strides = array<i32>} : memref<200x64xf32, #tpu.memory_space<vmem>>, vector<16xf32>,
        %add3A_341 = arith.addf %add3A_321, %get3A_340 : vector<16xf32>
        %get3A_342 = arith.index_cast %add3A_333 : i32 to index
        %get3A_343 = arith.constant 32 : index
        %get3A_344 = tpu.vector_load %arg8[%get3A_342, %get3A_343] {strides = array<i32>} : memref<200x64xf32, #tpu.memory_space<vmem>>, vector<16xf32>,
        %add3A_345 = arith.addf %add3A_325, %get3A_344 : vector<16xf32>
        %get3A_346 = arith.index_cast %add3A_333 : i32 to index
        %get3A_347 = arith.constant 48 : index
        %get3A_348 = tpu.vector_load %arg8[%get3A_346, %get3A_347] {strides = array<i32>} : memref<200x64xf32, #tpu.memory_space<vmem>>, vector<16xf32>,
        %add3A_349 = arith.addf %add3A_329, %get3A_348 : vector<16xf32>
        %mul3A_350 = arith.constant 8 : i32
        %mul3A_351 = arith.muli %scan3A_225, %mul3A_350 : i32
        %add3A_352 = arith.constant 6 : i32
        %add3A_353 = arith.addi %mul3A_351, %add3A_352 : i32
        %get3A_354 = arith.index_cast %add3A_353 : i32 to index
        %get3A_355 = arith.constant 0 : index
        %get3A_356 = tpu.vector_load %arg8[%get3A_354, %get3A_355] {strides = array<i32>} : memref<200x64xf32, #tpu.memory_space<vmem>>, vector<16xf32>,
        %add3A_357 = arith.addf %add3A_337, %get3A_356 : vector<16xf32>
        %get3A_358 = arith.index_cast %add3A_353 : i32 to index
        %get3A_359 = arith.constant 16 : index
        %get3A_360 = tpu.vector_load %arg8[%get3A_358, %get3A_359] {strides = array<i32>} : memref<200x64xf32, #tpu.memory_space<vmem>>, vector<16xf32>,
        %add3A_361 = arith.addf %add3A_341, %get3A_360 : vector<16xf32>
        %get3A_362 = arith.index_cast %add3A_353 : i32 to index
        %get3A_363 = arith.constant 32 : index
        %get3A_364 = tpu.vector_load %arg8[%get3A_362, %get3A_363] {strides = array<i32>} : memref<200x64xf32, #tpu.memory_space<vmem>>, vector<16xf32>,
        %add3A_365 = arith.addf %add3A_345, %get3A_364 : vector<16xf32>
        %get3A_366 = arith.index_cast %add3A_353 : i32 to index
        %get3A_367 = arith.constant 48 : index
        %get3A_368 = tpu.vector_load %arg8[%get3A_366, %get3A_367] {strides = array<i32>} : memref<200x64xf32, #tpu.memory_space<vmem>>, vector<16xf32>,
        %add3A_369 = arith.addf %add3A_349, %get3A_368 : vector<16xf32>
        %mul3A_370 = arith.constant 8 : i32
        %mul3A_371 = arith.muli %scan3A_225, %mul3A_370 : i32
        %add3A_372 = arith.constant 7 : i32
        %add3A_373 = arith.addi %mul3A_371, %add3A_372 : i32
        %get3A_374 = arith.index_cast %add3A_373 : i32 to index
        %get3A_375 = arith.constant 0 : index
        %get3A_376 = tpu.vector_load %arg8[%get3A_374, %get3A_375] {strides = array<i32>} : memref<200x64xf32, #tpu.memory_space<vmem>>, vector<16xf32>,
        %add3A_377 = arith.addf %add3A_357, %get3A_376 : vector<16xf32>
        %get3A_378 = arith.index_cast %add3A_373 : i32 to index
        %get3A_379 = arith.constant 16 : index
        %get3A_380 = tpu.vector_load %arg8[%get3A_378, %get3A_379] {strides = array<i32>} : memref<200x64xf32, #tpu.memory_space<vmem>>, vector<16xf32>,
        %add3A_381 = arith.addf %add3A_361, %get3A_380 : vector<16xf32>
        %get3A_382 = arith.index_cast %add3A_373 : i32 to index
        %get3A_383 = arith.constant 32 : index
        %get3A_384 = tpu.vector_load %arg8[%get3A_382, %get3A_383] {strides = array<i32>} : memref<200x64xf32, #tpu.memory_space<vmem>>, vector<16xf32>,
        %add3A_385 = arith.addf %add3A_365, %get3A_384 : vector<16xf32>
        %get3A_386 = arith.index_cast %add3A_373 : i32 to index
        %get3A_387 = arith.constant 48 : index
        %get3A_388 = tpu.vector_load %arg8[%get3A_386, %get3A_387] {strides = array<i32>} : memref<200x64xf32, #tpu.memory_space<vmem>>, vector<16xf32>,
        %add3A_389 = arith.addf %add3A_369, %get3A_388 : vector<16xf32>
        scf.yield %add3A_377, %add3A_381, %add3A_385, %add3A_389 : vector<16xf32>, vector<16xf32>, vector<16xf32>, vector<16xf32>
      }
      %scan3A_193 = arith.constant 25 : i32
      %mul3A_194 = arith.mulf %scan3A_192#0, %get3A_7 : vector<16xf32>
      %mul3A_195 = arith.mulf %scan3A_192#1, %get3A_11 : vector<16xf32>
      %add3A_196 = arith.addf %mul3A_194, %mul3A_195 : vector<16xf32>
      %mul3A_197 = arith.mulf %scan3A_192#2, %get3A_15 : vector<16xf32>
      %add3A_198 = arith.addf %add3A_196, %mul3A_197 : vector<16xf32>
      %mul3A_199 = arith.mulf %scan3A_192#3, %get3A_19 : vector<16xf32>
      %add3A_200 = arith.addf %add3A_198, %mul3A_199 : vector<16xf32>
      %reduce_sum3A_201 = arith.constant true
      %reduce_sum3A_202 = vector.broadcast %reduce_sum3A_201 : i1 to vector<16xi1>
      %reduce_sum3A_203 = tpu.scan <sum>, %add3A_200 masked %reduce_sum3A_202 : vector<16xf32>, vector<16xi1> -> vector<16xf32>
      %reduce_sum3A_204 = vector.extract %reduce_sum3A_203[15] : f32 from vector<16xf32>
      %add3A_205 = arith.addf %reduce_sum3A_204, %squeeze3A : f32
      %mul3A_206 = arith.mulf %scan3A_192#0, %get3A_23 : vector<16xf32>
      %mul3A_207 = arith.mulf %scan3A_192#1, %get3A_27 : vector<16xf32>
      %add3A_208 = arith.addf %mul3A_206, %mul3A_207 : vector<16xf32>
      %mul3A_209 = arith.mulf %scan3A_192#2, %get3A_31 : vector<16xf32>
      %add3A_210 = arith.addf %add3A_208, %mul3A_209 : vector<16xf32>
      %mul3A_211 = arith.mulf %scan3A_192#3, %get3A_35 : vector<16xf32>
      %add3A_212 = arith.addf %add3A_210, %mul3A_211 : vector<16xf32>
      %reduce_sum3A_213 = arith.constant true
      %reduce_sum3A_214 = vector.broadcast %reduce_sum3A_213 : i1 to vector<16xi1>
      %reduce_sum3A_215 = tpu.scan <sum>, %add3A_212 masked %reduce_sum3A_214 : vector<16xf32>, vector<16xi1> -> vector<16xf32>
      %reduce_sum3A_216 = vector.extract %reduce_sum3A_215[15] : f32 from vector<16xf32>
      %add3A_217 = arith.addf %reduce_sum3A_216, %squeeze3A_45 : f32
      %eq3A_218 = arith.constant 0 : i32
      %eq3A_219 = vector.broadcast %eq3A_218 : i32 to vector<16xi32>
      %eq3A_220 = arith.cmpi eq, %iota3A, %eq3A_219 : vector<16xi32>
      %broadcast_in_dim3A_221 = vector.broadcast %add3A_205 : f32 to vector<16xf32>
      %broadcast_in_dim3A_222 = vector.broadcast %add3A_217 : f32 to vector<16xf32>
      %select_n3A_223 = arith.select %eq3A_220, %broadcast_in_dim3A_221, %broadcast_in_dim3A_222 : vector<16xi1>, vector<16xf32>
      %broadcast_in_dim3A_224 = vector.broadcast %add3A_185 : i32 to vector<16xi32>
      tpu.vector_store_idx %arg10[%broadcast_in_dim3A_224, %min3A_47], %select_n3A_223 masked %lt3A_49 : memref<128x2xf32, #tpu.memory_space<vmem>>[vector<16xi32>, vector<16xi32>], vector<16xf32>, vector<16xi1>
    }
    %scan3A_73 = arith.constant 64 : i32
    "tpu.region"() ({
      %run_scoped3A = tpu.sem_alloc : memref<!tpu.dma_semaphore, #tpu.memory_space<semaphore_mem>>
      %dma_start3A_74 = arith.constant 0 : i32
      %dma_start3A_75 = tpu.memref_slice %arg5[%mul3A_4, %dma_start3A_74] : memref<4096x2xf32, #tpu.memory_space<hbm>> -> memref<128x2xf32, #tpu.memory_space<hbm>>
      %dma_start3A_76 = arith.constant 0 : i32
      %dma_start3A_77 = tpu.memref_slice %arg5[%mul3A_4, %dma_start3A_76] : memref<4096x2xf32, #tpu.memory_space<hbm>> -> memref<128x2xf32, #tpu.memory_space<hbm>>
      tpu.enqueue_dma source(%arg10 : memref<128x2xf32, #tpu.memory_space<vmem>>) target(%dma_start3A_77 : memref<128x2xf32, #tpu.memory_space<hbm>>) target_semaphore(%run_scoped3A : memref<!tpu.dma_semaphore, #tpu.memory_space<semaphore_mem>>)
      %dma_wait3A = arith.constant 0 : i32
      %dma_wait3A_78 = tpu.memref_slice %arg5[%mul3A_4, %dma_wait3A] : memref<4096x2xf32, #tpu.memory_space<hbm>> -> memref<128x2xf32, #tpu.memory_space<hbm>>
      %dma_wait3A_79 = arith.constant 0 : i32
      %dma_wait3A_80 = tpu.memref_slice %arg5[%mul3A_4, %dma_wait3A_79] : memref<4096x2xf32, #tpu.memory_space<hbm>> -> memref<128x2xf32, #tpu.memory_space<hbm>>
      tpu.wait_dma2 semaphore(%run_scoped3A : memref<!tpu.dma_semaphore, #tpu.memory_space<semaphore_mem>>) src(%arg10 : memref<128x2xf32, #tpu.memory_space<vmem>>) dst(%dma_wait3A_80 : memref<128x2xf32, #tpu.memory_space<hbm>>)
      tpu.yield
    }) : () -> ()
    return
  }
}

</mosaic_0001>

<sc_bundles>
// kernel: kernel.3.cloned.1.call-start
scs
__scs_entry_jumppad:
0x0: {  	(pc) =	sbr.rel $0x88, $3  }
0x1: {  	(tag) =	ssettag $0x0;
	lr =	simm.s32 $0x1  }
0x2: {  	[smem:$0x3F9D] =	sst lr;
	_ =	strace $0xD0000000  }
0x3: {  	_ = 	snop  }
0x4: {  	_ = 	snop  }
0x5: {  	_ = 	snop  }
0x6: {  	_ = 	snop  }
0x7: {  	_ = 	snop  }
__scs_overlays_trampoline_lowered:
0x8: {  	[smem:$0x3FAC] =	sst s0  }
0x9: {  	[smem:$0x3FAD] =	sst s1  }
0xa: {  	[smem:$0x3FAE] =	sst s2  }
0xb: {  	[smem:$0x3FAF] =	sst s3  }
0xc: {  	[smem:$0x3FB0] =	sst s4  }
0xd: {  	[smem:$0x3FB1] =	sst s5  }
0xe: {  	[smem:$0x3FB2] =	sst s6  }
0xf: {  	[smem:$0x3FB3] =	sst s7  }
0x10: {  	[smem:$0x3FB4] =	sst s8  }
0x11: {  	[smem:$0x3FB5] =	sst s9;
	s0 =	simm.s32 @!p0 $0x0  }
0x12: {  	s1 =	sld [smem:$0x3F9B];
	s0 =	simm.s32 @p0 $0x1  }
0x13: {  	[smem:$0x3FB6] =	sst s0;
	s0 =	simm.s32 @!p1 $0x0  }
0x14: {  	s2 =	sld [smem:$0x3F9A];
	s0 =	simm.s32 @p1 $0x1  }
0x15: {  	[smem:$0x3FB7] =	sst s0;
	s0 =	simm.s32 @!p2 $0x0  }
0x16: {  	s3 =	sld [smem:$0x3FDB];
	s0 =	simm.s32 @p2 $0x1  }
0x17: {  	s4 =	simm.s32 $0x1BF5;
	[smem:$0x3FB9] =	sst s0  }
0x18: {  	s0 =	sld [smem:$0x3F9C];
	_ =	swait.ge [sflag:s4], $0x0  }
0x19: {  	s7 =	sld [smem:$0x3F9D]  }
0x1a: {  	s8 =	sadd.s32 $0xFFFFE003, lr  }
0x1b: {  	s9 =	sadd.s32 $0xFFFFFEF7, lr;
	s5 =	simm.s32 $0xFFFFFFFF;
	p2 =	slt.u32 s8, $0xFFFFF086  }
0x1c: {  	p1 =	slt.u32 s9, $0xF7A;
	s5 =	simm.s32 @!p2 $0x0  }
0x1d: {  	s5 =	simm.s32 @p1 $0x1;
	p0 =	seq.s32 s7, s2  }
0x1e: {  	s7 =	smul.u32 @!p0 $0xF7A, s2;
	p2 =	seq.s32 @!p0 s5, $0x0  }
0x1f: {  	s9 =	smul.u32 $0xF7A, s1;
	s8 =	simm.s32 @!p0 $0x1BF5;
	p2 =	por !p2, p0  }
0x20: {  	[sflag:s8] =	ssyncset.s32 @!p0 $0xFFFFF086;
	s6 =	sadd.s32 @!p0 s3, s7;
	s7 =	simm.s32 @!p0 $0x108  }
0x21: {  	s3 =	sadd.s32 s3, s9;
	s6 =	sadd.s32 @!p0 $0x88, s6;
	s7 =	simm.s32 @p2 $0x1082  }
0x22: {  	[simem:s7], [sflag:s8] =	dma.local @!p0 [hbm:s6], $0xF7A  }
0x23: {  	s9 =	sor.u32 $0xD0000000, s2;
	s6 =	simm.s32 $0x108;
	_ =	swait.ge @!p0 [sflag:s8], $0x0  }
0x24: {  	s3 =	sadd.s32 $0x88, s3;
	s6 =	simm.s32 @!p1 $0x1082;
	[sflag:s4] =	ssyncset.s32 $0xFFFFF086  }
0x25: {  	[simem:s6], [sflag:s4] =	dma.local [hbm:s3], $0xF7A  }
0x26: {  	[smem:$0x3F9D] =	sst s1;
	(tag) =	ssettag s2;
	_ =	strace s9  }
0x27: {  	s1 =	sld [smem:$0x3FAD]  }
0x28: {  	s2 =	sld [smem:$0x3FAE]  }
0x29: {  	s4 =	sld [smem:$0x3FB0]  }
0x2a: {  	p0 =	seq.s32 s5, $0x0;
	s5 =	sld [smem:$0x3FB1]  }
0x2b: {  	s6 =	sld [smem:$0x3FB2]  }
0x2c: {  	s7 =	sld [smem:$0x3FB3]  }
0x2d: {  	s3 =	simm.s32 $0x108;
	s8 =	sld [smem:$0x3FB4]  }
0x2e: {  	s3 =	simm.s32 @!p0 $0x1082;
	s9 =	sld [smem:$0x3FB5]  }
0x2f: {  	lr =	sadd.s32 s0, s3;
	s0 =	sld [smem:$0x3FAC]  }
0x30: {  	s3 =	sld [smem:$0x3FAF]  }
0x31: {  	[smem:$0x3FB8] =	sst s10  }
0x32: {  	s10 =	sld [smem:$0x3FB6];
	_ =	sdelay $0x3  }
0x33: {  	p0 =	seq.s32 s10, $0x1;
	s10 =	sld [smem:$0x3FB8];
	_ =	sdelay $0x3  }
0x34: {  	[smem:$0x3FB8] =	sst s10  }
0x35: {  	s10 =	sld [smem:$0x3FB7];
	_ =	sdelay $0x3  }
0x36: {  	p1 =	seq.s32 s10, $0x1;
	s10 =	sld [smem:$0x3FB8];
	_ =	sdelay $0x3  }
0x37: {  	[smem:$0x3FB8] =	sst s10  }
0x38: {  	s10 =	sld [smem:$0x3FB9]  }
0x39: {  	_ = 	snop;
	(pc) =	sbr.ind lr, $3  }
0x3a: {  	_ = 	snop  }
0x3b: {  	_ = 	snop  }
0x3c: {  	p2 =	seq.s32 s10, $0x1;
	s10 =	sld [smem:$0x3FB8]  }
0x3d: {  	_ =	shalt  }
0x3e: {  	_ =	shalt  }
0x3f: {  	_ =	shalt  }
0x40: {  	_ =	shalt  }
0x41: {  	_ =	shalt  }
0x42: {  	_ =	shalt  }
0x43: {  	_ =	shalt  }
0x44: {  	_ =	shalt  }
0x45: {  	_ =	shalt  }
0x46: {  	_ =	shalt  }
0x47: {  	_ =	shalt  }
0x48: {  	_ =	shalt  }
0x49: {  	_ =	shalt  }
0x4a: {  	_ =	shalt  }
0x4b: {  	_ =	shalt  }
0x4c: {  	_ =	shalt  }
0x4d: {  	_ =	shalt  }
0x4e: {  	_ =	shalt  }
0x4f: {  	_ =	shalt  }
0x50: {  	_ =	shalt  }
0x51: {  	_ =	shalt  }
0x52: {  	_ =	shalt  }
0x53: {  	_ =	shalt  }
0x54: {  	_ =	shalt  }
0x55: {  	_ =	shalt  }
0x56: {  	_ =	shalt  }
0x57: {  	_ =	shalt  }
0x58: {  	_ =	shalt  }
0x59: {  	_ =	shalt  }
0x5a: {  	_ =	shalt  }
0x5b: {  	_ =	shalt  }
0x5c: {  	_ =	shalt  }
0x5d: {  	_ =	shalt  }
0x5e: {  	_ =	shalt  }
0x5f: {  	_ =	shalt  }
0x60: {  	_ =	shalt  }
0x61: {  	_ =	shalt  }
0x62: {  	_ =	shalt  }
0x63: {  	_ =	shalt  }
0x64: {  	_ =	shalt  }
0x65: {  	_ =	shalt  }
0x66: {  	_ =	shalt  }
0x67: {  	_ =	shalt  }
0x68: {  	_ =	shalt  }
0x69: {  	_ =	shalt  }
0x6a: {  	_ =	shalt  }
0x6b: {  	_ =	shalt  }
0x6c: {  	_ =	shalt  }
0x6d: {  	_ =	shalt  }
0x6e: {  	_ =	shalt  }
0x6f: {  	_ =	shalt  }
0x70: {  	_ =	shalt  }
0x71: {  	_ =	shalt  }
0x72: {  	_ =	shalt  }
0x73: {  	_ =	shalt  }
0x74: {  	_ =	shalt  }
0x75: {  	_ =	shalt  }
0x76: {  	_ =	shalt  }
0x77: {  	_ =	shalt  }
0x78: {  	_ =	shalt  }
0x79: {  	_ =	shalt  }
0x7a: {  	_ =	shalt  }
0x7b: {  	_ =	shalt  }
0x7c: {  	_ =	shalt  }
0x7d: {  	_ =	shalt  }
0x7e: {  	_ =	shalt  }
0x7f: {  	_ =	shalt  }
0x80: {  	_ =	shalt  }
0x81: {  	_ =	shalt  }
0x82: {  	_ =	shalt  }
0x83: {  	_ =	shalt  }
0x84: {  	_ =	shalt  }
0x85: {  	_ =	shalt  }
0x86: {  	_ =	shalt  }
0x87: {  	_ =	shalt  }
.Lfunc_end0:
.L_simem_size_0:
called_computation_lowered:
.L_overlay_start_0:
0x88: {  	s2 =	sld [smem:$0x3FD9]  }
0x89: {  	s3 =	sld [smem:$0x3FFE];
	_ =	sdelay $0x1  }
0x8a: {  	s1 =	srdreg.scid  }
0x8b: {  	s0 =	sand.u32 $0x1, s1  }
0x8c: {  	s17 =	sshll.u32 s0, $0xA;
	s2 =	sadd.s32 s3, s2  }
0x8d: {  	s2 =	sadd.s32 s2, s17  }
0x8e: {  	[smem:$0x3FC4] =	sst s2  }
0x8f: {  	_ = 	snop  }
0x90: {  	s2 =	sld [smem:$0x3FD0];
	(tm) =	ssettm $0x1  }
0x91: {  	s18 =	sld [smem:$0x3FFB];
	_ =	sdelay $0x3  }
0x92: {  	_ =	strace s18  }
0x93: {  	s3 =	sld [smem:$0x3FFC];
	_ =	sdelay $0x3  }
0x94: {  	_ =	strace s3  }
0x95: {  	s3 =	sld [smem:$0x3FFD];
	_ =	sdelay $0x3  }
0x96: {  	_ =	strace s3  }
0x97: {  	_ =	strace $0x8FFFFFFF  }
0x98: {  	s19 =	sld [smem:$0x3FDB];
	_ =	sdelay $0x1  }
0x99: {  	s4 =	simm.s32 $_scs_section_size  }
0x9a: {  	s5 =	simm.s32 $_size__tile_overlayer_lowered;
	s6 =	simm.s32 $_tile_overlayer_lowered  }
0x9b: {  	s22 =	simm.s32 $0x1BFF;
	s21 =	sshll.u32 s6, $0x1;
	s3 =	sadd.s32 s4, s19  }
0x9c: {  	s7 =	simm.s32 $0x0;
	s20 =	sshll.u32 s5, $0x1;
	s5 =	sadd.s32 s21, s3  }
0x9d: {  	[timem:s7], [sflag:s22] =	dma.local [hbm:s5], s20  }
0x9e: {  	_ =	swait.ge [sflag:s22], s20  }
0x9f: {  	s4 =	ssub.s32 $0x0, s20;
	[sflag:s22] =	ssyncset.done $0x0  }
0xa0: {  	[sflag:s22] =	ssyncadd.s32 s4;
	_ =	sdelay $0x1  }
0xa1: {  	s23 =	simm.s32 $0x1B8B  }
0xa2: {  	_ =	swait.ge [sflag:s23], $0x1  }
0xa3: {  	[sflag:s23] =	ssyncset.done $0x0  }
0xa4: {  	s25 =	simm.s32 $0x1B8E;
	s24 =	sld [smem:$0x3FFE];
	[sflag:s23] =	ssyncadd.s32 $0xFFFFFFFF  }
0xa5: {  	s26 =	simm.s32 $execute0_lowered;
	[smem:$0x3FD2] =	sst s25  }
0xa6: {  	s5 =	sshll.u32 s26, $0x1;
	_ =	strace $0x80000046;
	[dreg:$0x1] =	wrdreg $0xFFFFFFFF  }
0xa7: {  	s28 =	simm.s32 $_size_execute0_lowered;
	s3 =	sadd.s32 s3, s5;
	[dreg:$0x0] =	wrdreg $0x0  }
0xa8: {  	s5 =	sshll.u32 s28, $0x1;
	[dreg:$0x2] =	wrdreg s3  }
0xa9: {  	[dreg:$0x3] =	wrdreg s5  }
0xaa: {  	[dreg:$0x4] =	wrdreg $0xC0  }
0xab: {  	_ =	task [dreg:s7], $0x5FFFF  }
0xac: {  	[dreg:$0x1] =	wrdreg $0xFFFFFFFF  }
0xad: {  	[dreg:$0x0] =	wrdreg $0x60  }
0xae: {  	[dreg:$0x2] =	wrdreg s24  }
0xaf: {  	[dreg:$0x3] =	wrdreg s2  }
0xb0: {  	[dreg:$0x4] =	wrdreg $0x9  }
0xb1: {  	_ =	task.clear_ibuf [dreg:s7], $0x5FFFF;
	_ =	strace $0x90000046  }
0xb2: {  	s29 =	simm.s32 $0x9;
	_ =	strace $0x80000048  }
0xb3: {  	_ =	swait.ge [sflag:s29], $0x1  }
0xb4: {  	[sflag:s29] =	ssyncadd.s32 $0xFFFFFFFF  }
0xb5: {  	_ =	strace $0x90000048  }
0xb6: {  	_ =	sfence  }
0xb7: {  	s30 =	sld [smem:$0x0];
	_ =	sdelay $0x2  }
0xb8: {  	s31 =	sshll.u32 s1, $0xD;
	s1 =	sshrl.u32 s1, $0x2  }
0xb9: {  	s3 =	sand.u32 $0x4000, s31;
	s1 =	sadd.s32 s1, s30  }
0xba: {  	s0 =	sor.u32 s3, s0;
	s1 =	sshll.u32 s1, $0x11  }
0xbb: {  	s0 =	sor.u32 s1, s0  }
0xbc: {  	s0 =	sadd.s32 $0x8F2B, s0  }
0xbd: {  	[sflag:s0] =	ssyncadd.remote.s32 $0x1  }
0xbe: {  	_ =	sfence.sel $0xFFFF  }
0xbf: {  	[dreg:$0x0] =	wrdreg $0xFFFFFFFF;
	(pc) =	sbr.abs _section_cstart, $3  }
0xc0: {  	[dreg:$0x1] =	wrdreg $0xFFFFFFFF  }
0xc1: {  	_ =	task.clear_ibuf [dreg:s7], $0x2FFFF;
	_ =	strace $0x9FFFFFFF  }
0xc2: {  	(tm) =	ssettm $0x7FFFFFFF  }
0xc3: {  	_ =	shalt  }
tec
execute0_lowered:
.L_overlay_start_1:
0x0: {  	(tag) =	ssettag $0x1  }
0x1: {  	s5 =	rddreg [dreg:$0x0];
	s1 =	srdreg.scid  }
0x2: {  	s0 =	stileid.u32;
	s2 =	rddreg [dreg:$0x1]  }
0x3: {  	s3 =	simm.s32 $0x0;
	s10 =	simm.s32 $0x64;
	s11 =	simm.s32 $0x6800  }
0x4: {  	s12 =	simm.s32 $0x68;
	s13 =	simm.s32 $0x8100;
	s14 =	simm.s32 $0x9A00  }
0x5: {  	s15 =	simm.s32 $0xB300;
	s16 =	simm.s32 $0x1;
	s17 =	simm.s32 $0xCCA0  }
0x6: {  	s18 =	simm.s32 $0x2;
	s4 =	sand.u32 $0x1, s1;
	s1 =	rddreg [dreg:$0x2]  }
0x7: {  	s19 =	simm.s32 $0x0;
	s6 =	sshll.u32 s0, $0x1;
	[smem:$0x7FF] =	sst s3  }
0x8: {  	s6 =	sor.u32 s4, s6;
	_ =	strace $0x80000047;
	s8 =	ssub.s32 $0x2, s4  }
0x9: {  	s7 =	smul.u32 $0xD00, s6;
	s6 =	sshll.u32 s6, $0x7;
	s9 =	sshrl.u32 s8, $0x1  }
0xa: {  	s4 =	sadd.s32 $0xF42600, s5;
	s6 =	sadd.s32 s6, s5;
	s8 =	ssub.s32 s8, s9  }
0xb: {  	v1 =	vimm.s32 $0x1;
	vm0 =	vcmask $0x300;
	s9 =	simm.s32 $0x3;
	s7 =	sadd.s32 s7, s5;
	s6 =	sadd.s32 $0x1A200, s6  }
0xc: {  	v0 =	vlaneseq.u32;
	v1 =	vsel vm0, $0x0, v1;
	s5 =	sadd.s32 $0x200, s7;
	s7 =	smax.u32 s8, $0x1;
	s8 =	simm.s32 $0xCC00  }
.LBB2_1:
0xd: {  	[tilespmem:s8], [sflag:$0x3] =	stream.linear.gather [hbm4b:s2+s3], $0xA0, $0x38;
	[tilespmem:$0xD0A0] =	vst v63  }
0xe: {  	_ =	swait.ge [sflag:s9], $0xA0  }
0xf: {  	[sflag:s9] =	ssyncset.done $0x0  }
0x10: {  	[sflag:s9] =	ssyncadd.s32 $0xFFFFFF60  }
0x11: {  	[tilespmem:s3], [sflag:$0x3] =	stream.linear.gather [hbm4b:s5+s3], $0x6800, $0x38;
	[tilespmem:$0xD0A0] =	vst v63  }
0x12: {  	_ =	swait.ge [sflag:s9], $0x6800  }
0x13: {  	[sflag:s9] =	ssyncset.done $0x0  }
0x14: {  	[sflag:s9] =	ssyncadd.s32 $0xFFFF9800  }
0x15: {  	v2 =	vld [tilespmem:$0xCC40]  }
0x16: {  	v3 =	vld [tilespmem:$0xCC90];
	_ =	sdelay $0x3  }
0x17: {  	(v2sf) =	vpush v2, $0x0  }
0x18: {  	(v2sf) =	vpush v3, $0x0;
	_ =	sdelay $0x3  }
0x19: {  	v4 =	vld [tilespmem:$0xCC20]  }
0x1a: {  	v5 =	vld [tilespmem:$0xCC30]  }
0x1b: {  	v6 =	vld [tilespmem:$0xCC50]  }
0x1c: {  	v7 =	vld [tilespmem:$0xCC60]  }
0x1d: {  	v8 =	vld [tilespmem:$0xCC70]  }
0x1e: {  	v9 =	vld [tilespmem:$0xCC80]  }
0x1f: {  	v2 =	vld [tilespmem:$0xCC00]  }
0x20: {  	v3 =	vld [tilespmem:$0xCC10];
	[tilespmem:s11], [sflag:$0x1] =	stream.indirect.gather [hbm4b:s4+s10], $0x40, s3, s10, $0xb8  }
0x21: {  	_ = 	snop  }
0x22: {  	[tilespmem:s13], [sflag:$0x1] =	stream.indirect.gather [hbm4b:s4+s10], $0x40, s12, s10, $0xb8;
	[tilespmem:$0xD0A0] =	vst v63  }
0x23: {  	s20 =	spop (v2sf)  }
0x24: {  	s22 =	simm.s32 $0x0;
	s21 =	spop (v2sf)  }
.LBB2_2:
0x25: {  	s23 =	sshllo.u32 s22, $0x1  }
0x26: {  	s24 =	smul.u32 $0x340, s23;
	_ =	sdelay $0x1  }
0x27: {  	s24 =	sshra.s32 s24, $0x2  }
0x28: {  	[tilespmem:s14], [sflag:$0x2] =	stream.indirect.gather [hbm4b:s4+s10], $0x40, s24, s10, $0xb8;
	[tilespmem:$0xD0A0] =	vst v63  }
0x29: {  	s24 =	sadd.s32 $0x68, s24  }
0x2a: {  	[tilespmem:s15], [sflag:$0x2] =	stream.indirect.gather [hbm4b:s4+s10], $0x40, s24, s10, $0xb8;
	[tilespmem:$0xD0A0] =	vst v63  }
0x2b: {  	_ =	swait.ge [sflag:s16], $0x1900  }
0x2c: {  	[sflag:s16] =	ssyncset.done $0x0  }
0x2d: {  	[sflag:s16] =	ssyncadd.s32 $0xFFFFE700  }
0x2e: {  	_ =	swait.ge [sflag:s16], $0x1900  }
0x2f: {  	[sflag:s16] =	ssyncset.done $0x0  }
0x30: {  	s25 =	simm.s32 $0x0;
	[sflag:s16] =	ssyncadd.s32 $0xFFFFE700  }
0x31: {  	v10 =	vld [tilespmem:s25+$0x69C0]  }
0x32: {  	v11 =	vld [tilespmem:s25+$0x69D0]  }
0x33: {  	v12 =	vld [tilespmem:s25+$0x6980]  }
0x34: {  	v13 =	vld [tilespmem:s25+$0x6990]  }
0x35: {  	v14 =	vld [tilespmem:s25+$0x6940]  }
0x36: {  	v15 =	vld [tilespmem:s25+$0x6950]  }
0x37: {  	v16 =	vld [tilespmem:s25+$0x6900]  }
0x38: {  	v17 =	vld [tilespmem:s25+$0x6910]  }
0x39: {  	v18 =	vld [tilespmem:s25+$0x68C0]  }
0x3a: {  	v19 =	vld [tilespmem:s25+$0x68D0]  }
0x3b: {  	v20 =	vld [tilespmem:s25+$0x6880]  }
0x3c: {  	v21 =	vld [tilespmem:s25+$0x6890]  }
0x3d: {  	v26 =	vld [tilespmem:s25+$0x6840]  }
0x3e: {  	v27 =	vld [tilespmem:s25+$0x6850]  }
0x3f: {  	v28 =	vld [tilespmem:s25+$0x6800]  }
0x40: {  	v22 =	vimm.f32 $0.0e+00;
	v30 =	vld [tilespmem:s25+$0x6810]  }
0x41: {  	s26 =	simm.s32 $0x800;
	v25 =	vimm.f32 $0.0e+00;
	v24 =	vimm.f32 $0.0e+00;
	v23 =	vimm.f32 $0.0e+00;
	s24 =	sshll.u32 s22, $0x1;
	v29 =	vld [tilespmem:s25+$0x6820]  }
.LBB2_3:
0x42: {  	p0 =	sne.s32 s26, $0xC000;
	v31 =	vld [tilespmem:s25+$0x6830]  }
0x43: {  	v32 =	vld [tilespmem:s25+$0x6860]  }
0x44: {  	v33 =	vld [tilespmem:s25+$0x6870]  }
0x45: {  	v34 =	vld [tilespmem:s25+$0x68A0]  }
0x46: {  	v22 =	vadd.f32 v28, v22;
	v25 =	vadd.f32 v30, v25;
	v28 =	vld [tilespmem:s25+$0x68B0]  }
0x47: {  	v24 =	vadd.f32 v29, v24;
	v23 =	vadd.f32 v31, v23;
	v29 =	vld [tilespmem:s25+$0x68E0]  }
0x48: {  	v22 =	vadd.f32 v26, v22;
	v25 =	vadd.f32 v27, v25;
	v26 =	vld [tilespmem:s25+$0x68F0]  }
0x49: {  	v24 =	vadd.f32 v32, v24;
	v23 =	vadd.f32 v33, v23;
	v27 =	vld [tilespmem:s25+$0x6920]  }
0x4a: {  	v20 =	vadd.f32 v20, v22;
	v21 =	vadd.f32 v21, v25;
	v22 =	vld [tilespmem:s25+$0x6930]  }
0x4b: {  	v24 =	vadd.f32 v34, v24;
	v23 =	vadd.f32 v28, v23;
	v25 =	vld [tilespmem:s25+$0x6960]  }
0x4c: {  	v18 =	vadd.f32 v18, v20;
	v19 =	vadd.f32 v19, v21;
	v20 =	vld [tilespmem:s25+$0x6970]  }
0x4d: {  	v21 =	vadd.f32 v29, v24;
	v23 =	vadd.f32 v26, v23;
	v24 =	vld [tilespmem:s25+$0x69A0]  }
0x4e: {  	v16 =	vadd.f32 v16, v18;
	v17 =	vadd.f32 v17, v19;
	v18 =	vld [tilespmem:s25+$0x69B0]  }
0x4f: {  	v19 =	vadd.f32 v27, v21;
	v21 =	vadd.f32 v22, v23;
	v23 =	vld [tilespmem:s25+$0x69E0]  }
0x50: {  	v14 =	vadd.f32 v14, v16;
	v15 =	vadd.f32 v15, v17;
	v16 =	vld [tilespmem:s25+$0x69F0];
	s25 =	sshra.s32 s26, $0x2  }
0x51: {  	v19 =	vadd.f32 v25, v19;
	v17 =	vld [tilespmem:s25+$0x69C0];
	v20 =	vadd.f32 v20, v21  }
0x52: {  	v14 =	vadd.f32 v12, v14;
	v15 =	vadd.f32 v13, v15;
	v21 =	vld [tilespmem:s25+$0x69D0]  }
0x53: {  	v19 =	vadd.f32 v24, v19;
	v12 =	vld [tilespmem:s25+$0x6980];
	v18 =	vadd.f32 v18, v20  }
0x54: {  	v22 =	vadd.f32 v10, v14;
	v25 =	vadd.f32 v11, v15;
	v13 =	vld [tilespmem:s25+$0x6990]  }
0x55: {  	v24 =	vadd.f32 v23, v19;
	v14 =	vld [tilespmem:s25+$0x6940];
	v23 =	vadd.f32 v16, v18  }
0x56: {  	v15 =	vld [tilespmem:s25+$0x6950];
	v10 =	vmov v17  }
0x57: {  	v16 =	vld [tilespmem:s25+$0x6900];
	v11 =	vmov v21  }
0x58: {  	v17 =	vld [tilespmem:s25+$0x6910]  }
0x59: {  	v18 =	vld [tilespmem:s25+$0x68C0]  }
0x5a: {  	v19 =	vld [tilespmem:s25+$0x68D0]  }
0x5b: {  	v20 =	vld [tilespmem:s25+$0x6880]  }
0x5c: {  	v21 =	vld [tilespmem:s25+$0x6890]  }
.Ltmp0:
0x5d: {  	v26 =	vld [tilespmem:s25+$0x6840];
	(pc) =	sbr.rel @p0 .LBB2_3-.Ltmp0, $4  }
0x5e: {  	v27 =	vld [tilespmem:s25+$0x6850]  }
0x5f: {  	v28 =	vld [tilespmem:s25+$0x6800]  }
0x60: {  	v30 =	vld [tilespmem:s25+$0x6810]  }
0x61: {  	s26 =	sadd.s32 $0x800, s26;
	v29 =	vld [tilespmem:s25+$0x6820]  }
0x62: {  	v31 =	vld [tilespmem:s25+$0x6830]  }
0x63: {  	v32 =	vld [tilespmem:s25+$0x6860]  }
0x64: {  	v33 =	vld [tilespmem:s25+$0x6870]  }
0x65: {  	v34 =	vld [tilespmem:s25+$0x68A0];
	v22 =	vadd.f32 v28, v22;
	v25 =	vadd.f32 v30, v25  }
0x66: {  	v28 =	vld [tilespmem:s25+$0x68B0];
	v24 =	vadd.f32 v29, v24  }
0x67: {  	v29 =	vld [tilespmem:s25+$0x68E0];
	v22 =	vadd.f32 v26, v22;
	v25 =	vadd.f32 v27, v25  }
0x68: {  	v26 =	vld [tilespmem:s25+$0x68F0];
	v23 =	vadd.f32 v31, v23;
	v24 =	vadd.f32 v32, v24  }
0x69: {  	v27 =	vld [tilespmem:s25+$0x6920];
	v20 =	vadd.f32 v20, v22;
	v21 =	vadd.f32 v21, v25  }
0x6a: {  	v22 =	vadd.f32 v33, v23;
	v23 =	vld [tilespmem:s25+$0x6930];
	v24 =	vadd.f32 v34, v24  }
0x6b: {  	v25 =	vld [tilespmem:s25+$0x6960];
	v18 =	vadd.f32 v18, v20;
	v19 =	vadd.f32 v19, v21  }
0x6c: {  	v20 =	vadd.f32 v28, v22;
	v21 =	vld [tilespmem:s25+$0x6970];
	v22 =	vadd.f32 v29, v24  }
0x6d: {  	v24 =	vld [tilespmem:s25+$0x69A0];
	v16 =	vadd.f32 v16, v18;
	v17 =	vadd.f32 v17, v19  }
0x6e: {  	v18 =	vadd.f32 v26, v20;
	v19 =	vadd.f32 v27, v22  }
0x6f: {  	v20 =	vld [tilespmem:s25+$0x69B0];
	v14 =	vadd.f32 v14, v16;
	v15 =	vadd.f32 v15, v17  }
0x70: {  	v16 =	vadd.f32 v23, v18;
	v17 =	vld [tilespmem:s25+$0x69E0];
	v18 =	vadd.f32 v25, v19  }
0x71: {  	v12 =	vadd.f32 v12, v14;
	v13 =	vadd.f32 v13, v15  }
0x72: {  	v14 =	vld [tilespmem:s25+$0x69F0];
	v15 =	vadd.f32 v21, v16;
	v16 =	vadd.f32 v24, v18  }
0x73: {  	v10 =	vadd.f32 v10, v12;
	v11 =	vadd.f32 v11, v13  }
0x74: {  	v12 =	vadd.f32 v20, v15  }
0x75: {  	v13 =	vadd.f32 v17, v16;
	v15 =	vmul.f32 v10, v2;
	v16 =	vmul.f32 v11, v3  }
0x76: {  	v10 =	vmul.f32 v10, v6;
	v11 =	vmul.f32 v11, v7  }
0x77: {  	v12 =	vadd.f32 v14, v12;
	v14 =	vadd.f32 v16, v15;
	v15 =	vmul.f32 v13, v4  }
0x78: {  	v10 =	vadd.f32 v11, v10;
	v11 =	vmul.f32 v13, v8  }
0x79: {  	v13 =	vadd.f32 v15, v14;
	v14 =	vmul.f32 v12, v5  }
0x7a: {  	v10 =	vadd.f32 v11, v10;
	v11 =	vmul.f32 v12, v9  }
0x7b: {  	v12 =	vadd.f32 v14, v13  }
0x7c: {  	v10 =	vadd.f32 v11, v10  }
0x7d: {  	(xrf2) =	vadd.scan.msk.f32 $0xffff, v12  }
0x7e: {  	(xrf2) =	vadd.scan.msk.f32 $0xffff, v10;
	_ =	sdelay $0x8  }
0x7f: {  	v10, _, _ =	vpop (xrf2)  }
0x80: {  	(v2sf) =	vpush v10, $0xF;
	v10, _, _ =	vpop (xrf2)  }
0x81: {  	(v2sf) =	vpush v10, $0xF;
	_ =	sdelay $0xd  }
0x82: {  	s24 =	sshll.u32 s24, $0x3;
	s30 =	spop (v2sf)  }
0x83: {  	v10 =	vor.u32 s24, v1;
	s26 =	spop (v2sf)  }
0x84: {  	p0 =	seq.s32 s22, $0x3F;
	s31 =	sadd.f32 s26, s21  }
0x85: {  	s25 =	sadd.f32 s30, s20;
	s26 =	smul.u32 @!p0 $0x680, s22  }
0x86: {  	vm0 =	veq.s32 v0, $0x0;
	v11 =	vmov s31  }
0x87: {  	s24 =	sshra.s32 @!p0 s26, $0x2;
	v11 =	vsel vm0, s25, v11  }
0x88: {  	s28 =	simm.s32 @!p0 $0x6800;
	s26 =	simm.s32 @!p0 $0x64;
	s25 =	sadd.s32 @!p0 $0x1A0, s24;
	[tilespmem:v10+s17+$0x0] =	vst.idx.msk $0x3, v11  }
0x89: {  	[tilespmem:s28], [sflag:$0x1] =	stream.indirect.gather @!p0 [hbm4b:s4+s26], $0x40, s25, s26, $0xb8;
	[tilespmem:$0xD0A0] =	vst v63  }
0x8a: {  	s24 =	sadd.s32 @!p0 $0x208, s24;
	s25 =	simm.s32 @!p0 $0x8100  }
0x8b: {  	[tilespmem:s25], [sflag:$0x1] =	stream.indirect.gather @!p0 [hbm4b:s4+s26], $0x40, s24, s26, $0xb8;
	[tilespmem:$0xD0A0] =	vst v63  }
0x8c: {  	_ =	swait.ge [sflag:s18], $0x1900  }
0x8d: {  	[sflag:s18] =	ssyncset.done $0x0  }
0x8e: {  	[sflag:s18] =	ssyncadd.s32 $0xFFFFE700  }
0x8f: {  	_ =	swait.ge [sflag:s18], $0x1900  }
0x90: {  	[sflag:s18] =	ssyncset.done $0x0  }
0x91: {  	s24 =	simm.s32 $0x0;
	[sflag:s18] =	ssyncadd.s32 $0xFFFFE700  }
0x92: {  	v10 =	vld [tilespmem:s24+$0x9BC0]  }
0x93: {  	v11 =	vld [tilespmem:s24+$0x9BD0]  }
0x94: {  	v12 =	vld [tilespmem:s24+$0x9B80]  }
0x95: {  	v13 =	vld [tilespmem:s24+$0x9B90]  }
0x96: {  	v14 =	vld [tilespmem:s24+$0x9B40]  }
0x97: {  	v15 =	vld [tilespmem:s24+$0x9B50]  }
0x98: {  	v16 =	vld [tilespmem:s24+$0x9B00]  }
0x99: {  	v17 =	vld [tilespmem:s24+$0x9B10]  }
0x9a: {  	v18 =	vld [tilespmem:s24+$0x9AC0]  }
0x9b: {  	v19 =	vld [tilespmem:s24+$0x9AD0]  }
0x9c: {  	v20 =	vld [tilespmem:s24+$0x9A80]  }
0x9d: {  	v21 =	vld [tilespmem:s24+$0x9A90]  }
0x9e: {  	v26 =	vld [tilespmem:s24+$0x9A40]  }
0x9f: {  	v27 =	vld [tilespmem:s24+$0x9A50]  }
0xa0: {  	v28 =	vld [tilespmem:s24+$0x9A00]  }
0xa1: {  	v22 =	vimm.f32 $0.0e+00;
	v30 =	vld [tilespmem:s24+$0x9A10]  }
0xa2: {  	v23 =	vimm.f32 $0.0e+00;
	v25 =	vimm.f32 $0.0e+00;
	v24 =	vimm.f32 $0.0e+00;
	s25 =	simm.s32 $0x800;
	v29 =	vld [tilespmem:s24+$0x9A20]  }
.LBB2_5:
0xa3: {  	p0 =	sne.s32 s25, $0xC000;
	v31 =	vld [tilespmem:s24+$0x9A30]  }
0xa4: {  	v32 =	vld [tilespmem:s24+$0x9A60]  }
0xa5: {  	v33 =	vld [tilespmem:s24+$0x9A70]  }
0xa6: {  	v34 =	vld [tilespmem:s24+$0x9AA0]  }
0xa7: {  	v23 =	vadd.f32 v28, v23;
	v25 =	vadd.f32 v30, v25;
	v28 =	vld [tilespmem:s24+$0x9AB0]  }
0xa8: {  	v24 =	vadd.f32 v29, v24;
	v22 =	vadd.f32 v31, v22;
	v29 =	vld [tilespmem:s24+$0x9AE0]  }
0xa9: {  	v23 =	vadd.f32 v26, v23;
	v25 =	vadd.f32 v27, v25;
	v26 =	vld [tilespmem:s24+$0x9AF0]  }
0xaa: {  	v24 =	vadd.f32 v32, v24;
	v22 =	vadd.f32 v33, v22;
	v27 =	vld [tilespmem:s24+$0x9B20]  }
0xab: {  	v20 =	vadd.f32 v20, v23;
	v21 =	vadd.f32 v21, v25;
	v23 =	vld [tilespmem:s24+$0x9B30]  }
0xac: {  	v24 =	vadd.f32 v34, v24;
	v22 =	vadd.f32 v28, v22;
	v25 =	vld [tilespmem:s24+$0x9B60]  }
0xad: {  	v18 =	vadd.f32 v18, v20;
	v19 =	vadd.f32 v19, v21;
	v20 =	vld [tilespmem:s24+$0x9B70]  }
0xae: {  	v21 =	vadd.f32 v29, v24;
	v22 =	vadd.f32 v26, v22;
	v24 =	vld [tilespmem:s24+$0x9BA0]  }
0xaf: {  	v16 =	vadd.f32 v16, v18;
	v17 =	vadd.f32 v17, v19;
	v18 =	vld [tilespmem:s24+$0x9BB0]  }
0xb0: {  	v19 =	vadd.f32 v27, v21;
	v21 =	vadd.f32 v23, v22;
	v22 =	vld [tilespmem:s24+$0x9BE0]  }
0xb1: {  	v14 =	vadd.f32 v14, v16;
	v15 =	vadd.f32 v15, v17;
	v16 =	vld [tilespmem:s24+$0x9BF0];
	s24 =	sshra.s32 s25, $0x2  }
0xb2: {  	v19 =	vadd.f32 v25, v19;
	v17 =	vld [tilespmem:s24+$0x9BC0];
	v20 =	vadd.f32 v20, v21  }
0xb3: {  	v14 =	vadd.f32 v12, v14;
	v15 =	vadd.f32 v13, v15;
	v21 =	vld [tilespmem:s24+$0x9BD0]  }
0xb4: {  	v19 =	vadd.f32 v24, v19;
	v12 =	vld [tilespmem:s24+$0x9B80];
	v18 =	vadd.f32 v18, v20  }
0xb5: {  	v23 =	vadd.f32 v10, v14;
	v25 =	vadd.f32 v11, v15;
	v13 =	vld [tilespmem:s24+$0x9B90]  }
0xb6: {  	v24 =	vadd.f32 v22, v19;
	v14 =	vld [tilespmem:s24+$0x9B40];
	v22 =	vadd.f32 v16, v18  }
0xb7: {  	v15 =	vld [tilespmem:s24+$0x9B50];
	v10 =	vmov v17  }
0xb8: {  	v16 =	vld [tilespmem:s24+$0x9B00];
	v11 =	vmov v21  }
0xb9: {  	v17 =	vld [tilespmem:s24+$0x9B10]  }
0xba: {  	v18 =	vld [tilespmem:s24+$0x9AC0]  }
0xbb: {  	v19 =	vld [tilespmem:s24+$0x9AD0]  }
0xbc: {  	v20 =	vld [tilespmem:s24+$0x9A80]  }
0xbd: {  	v21 =	vld [tilespmem:s24+$0x9A90]  }
.Ltmp1:
0xbe: {  	v26 =	vld [tilespmem:s24+$0x9A40];
	(pc) =	sbr.rel @p0 .LBB2_5-.Ltmp1, $4  }
0xbf: {  	v27 =	vld [tilespmem:s24+$0x9A50]  }
0xc0: {  	v28 =	vld [tilespmem:s24+$0x9A00]  }
0xc1: {  	v30 =	vld [tilespmem:s24+$0x9A10]  }
0xc2: {  	s25 =	sadd.s32 $0x800, s25;
	v29 =	vld [tilespmem:s24+$0x9A20]  }
0xc3: {  	v31 =	vld [tilespmem:s24+$0x9A30]  }
0xc4: {  	v32 =	vld [tilespmem:s24+$0x9A60]  }
0xc5: {  	v33 =	vld [tilespmem:s24+$0x9A70]  }
0xc6: {  	v34 =	vld [tilespmem:s24+$0x9AA0];
	v23 =	vadd.f32 v28, v23;
	v25 =	vadd.f32 v30, v25  }
0xc7: {  	v36 =	vld [tilespmem:s24+$0x9AB0];
	v24 =	vadd.f32 v29, v24  }
0xc8: {  	v37 =	vld [tilespmem:s24+$0x9AE0];
	v23 =	vadd.f32 v26, v23;
	v25 =	vadd.f32 v27, v25  }
0xc9: {  	v38 =	vld [tilespmem:s24+$0x9AF0];
	v22 =	vadd.f32 v31, v22;
	v24 =	vadd.f32 v32, v24  }
0xca: {  	v39 =	vld [tilespmem:s24+$0x9B20];
	v20 =	vadd.f32 v20, v23;
	v21 =	vadd.f32 v21, v25  }
0xcb: {  	v40 =	vld [tilespmem:s24+$0x9B30];
	v22 =	vadd.f32 v33, v22;
	v24 =	vadd.f32 v34, v24  }
0xcc: {  	v41 =	vld [tilespmem:s24+$0x9B60];
	v18 =	vadd.f32 v18, v20;
	v19 =	vadd.f32 v19, v21  }
0xcd: {  	v43 =	vld [tilespmem:s24+$0x9B70];
	v42 =	vadd.f32 v36, v22;
	v44 =	vadd.f32 v37, v24  }
0xce: {  	v45 =	vld [tilespmem:s24+$0x9BA0];
	v16 =	vadd.f32 v16, v18;
	v17 =	vadd.f32 v17, v19  }
0xcf: {  	v46 =	vadd.f32 v38, v42;
	v47 =	vadd.f32 v39, v44  }
0xd0: {  	v48 =	vld [tilespmem:s24+$0x9BB0];
	v14 =	vadd.f32 v14, v16;
	v15 =	vadd.f32 v15, v17  }
0xd1: {  	v50 =	vld [tilespmem:s24+$0x9BE0];
	v49 =	vadd.f32 v40, v46;
	v51 =	vadd.f32 v41, v47  }
0xd2: {  	v12 =	vadd.f32 v12, v14;
	v13 =	vadd.f32 v13, v15  }
0xd3: {  	v52 =	vld [tilespmem:s24+$0x9BF0];
	v53 =	vadd.f32 v43, v49;
	v54 =	vadd.f32 v45, v51  }
0xd4: {  	v10 =	vadd.f32 v10, v12;
	v11 =	vadd.f32 v11, v13  }
0xd5: {  	v55 =	vadd.f32 v48, v53  }
0xd6: {  	v56 =	vadd.f32 v50, v54;
	v57 =	vmul.f32 v10, v2;
	v58 =	vmul.f32 v11, v3  }
0xd7: {  	v10 =	vmul.f32 v10, v6;
	v11 =	vmul.f32 v11, v7  }
0xd8: {  	v12 =	vadd.f32 v52, v55;
	v60 =	vmul.f32 v56, v4;
	v59 =	vadd.f32 v58, v57  }
0xd9: {  	v10 =	vadd.f32 v11, v10;
	v11 =	vmul.f32 v56, v8  }
0xda: {  	v62 =	vmul.f32 v12, v5;
	v61 =	vadd.f32 v60, v59  }
0xdb: {  	v10 =	vadd.f32 v11, v10;
	v11 =	vmul.f32 v12, v9  }
0xdc: {  	v63 =	vadd.f32 v62, v61  }
0xdd: {  	v10 =	vadd.f32 v11, v10  }
0xde: {  	(xrf2) =	vadd.scan.msk.f32 $0xffff, v63  }
0xdf: {  	(xrf2) =	vadd.scan.msk.f32 $0xffff, v10;
	_ =	sdelay $0x8  }
0xe0: {  	v10, _, _ =	vpop (xrf2)  }
0xe1: {  	(v2sf) =	vpush v10, $0xF;
	v10, _, _ =	vpop (xrf2)  }
0xe2: {  	(v2sf) =	vpush v10, $0xF;
	_ =	sdelay $0xd  }
0xe3: {  	s23 =	sshll.u32 s23, $0x3;
	s22 =	sadd.s32 $0x1, s22;
	s30 =	spop (v2sf)  }
0xe4: {  	p0 =	sne.s32 s22, $0x40;
	v10 =	vor.u32 s23, v1;
	s25 =	spop (v2sf)  }
.Ltmp2:
0xe5: {  	s31 =	sadd.f32 s25, s21;
	(pc) =	sbr.rel @p0 .LBB2_2-.Ltmp2, $4  }
0xe6: {  	s24 =	sadd.f32 s30, s20  }
0xe7: {  	vm0 =	veq.s32 v0, $0x0;
	v11 =	vmov s31  }
0xe8: {  	v11 =	vsel vm0, s24, v11  }
0xe9: {  	[tilespmem:v10+s17+$0x0] =	vst.idx.msk $0x3, v11  }
0xea: {  	s19 =	sadd.s32 $0x1, s19  }
0xeb: {  	p0 =	sne.s32 s19, s7  }
.Ltmp3:
0xec: {  	_ = 	snop;
	(pc) =	sbr.rel @p0 .LBB2_1-.Ltmp3, $4  }
0xed: {  	[hbm4b:s6+s3] =	stream.linear.scatter [tilespmem:s17], [sflag:$0x3], $0x400, $0x38;
	[tilespmem:$0xD0A0] =	vst v63  }
0xee: {  	_ =	swait.ge [sflag:s9], $0x400  }
0xef: {  	[sflag:s9] =	ssyncset.done $0x0  }
0xf0: {  	[sflag:s9] =	ssyncadd.s32 $0xFFFFFC00  }
0xf1: {  	_ =	sfence.sel $0x180000  }
0xf2: {  	[bflag:$0x0] =	sbarrier.arrive $0xFFFF  }
0xf3: {  	p0 =	sne.s32 s0, $0x0;
	_ =	strace $0x90000047  }
0xf4: {  	s0 =	sadd.s32 @!p0 $0x100000, s1;
	[bflag:$0x2] =	sbarrier.arrive $0xFFFF  }
0xf5: {  	[sflag:s0] =	ssyncadd.tile.s32 @!p0 $0x1;
	_ =	shalt  }
.Lfunc_end2:
_tile_overlayer_lowered:
.L_overlay_start_2:
0xf6: {  	(tag) =	ssettag $0x2  }
0xf7: {  	s0 =	rddreg [dreg:$0x0];
	s2 =	stileid.u32  }
0xf8: {  	s1 =	rddreg [dreg:$0x1];
	p0 =	sne.s32 s2, $0x0  }
0xf9: {  	s3 =	rddreg [dreg:$0x2];
	[bflag:$0x3] =	sbarrier.arrive $0xFFFF;
	s2 =	simm.s32 @!p0 $0x1C03  }
0xfa: {  	[timem:s3], [sflag:s2] =	dma.local @!p0 [hbm:s0], s1  }
0xfb: {  	s0 =	simm.s32 @!p0 $0x3  }
0xfc: {  	_ =	swait.ge @!p0 [sflag:s0], s1  }
0xfd: {  	s1 =	ssub.s32 @!p0 $0x0, s1;
	[sflag:s0] =	ssyncset.done @!p0 $0x0  }
0xfe: {  	[sflag:s0] =	ssyncadd.s32 @!p0 s1  }
0xff: {  	[bflag:$0x3] =	sbarrier.arrive $0xFFFF  }
0x100: {  	_ =	shalt  }

</sc_bundles>
